<compile_context>
chip_gen: v7x
topology: tpu7x:2x2x1
jax: 0.10.2.dev20260603
libtpu: 0.0.44.dev20260713+nightly
codegen_flags: <defaults>
</compile_context>

<pallas_src>
import functools

import jax
import jax.numpy as jnp
from jax import lax
from jax.experimental import pallas as pl
from jax.experimental.pallas import tpu as pltpu
from jax.experimental.pallas import tpu_sc as plsc


@functools.lru_cache(maxsize=None)
def _build_gather(BATCH: int, SEQ: int, V: int, DB: int, DW: int):
    info = plsc.get_sparse_core_info()
    nc, ns = info.num_cores, info.num_subcores
    nw = nc * ns
    assert BATCH % nw == 0
    bpw = BATCH // nw
    assert bpw % 2 == 0 and bpw >= 4
    DO = DB - 1

    mesh = plsc.VectorSubcoreMesh(core_axis_name="c", subcore_axis_name="s")

    @functools.partial(
        pl.kernel,
        mesh=mesh,
        compiler_params=pltpu.CompilerParams(use_tc_tiling_on_sc=False),
        out_type=jax.ShapeDtypeStruct((BATCH, SEQ, DO, 128), jnp.float32),
        scratch_types=[
            pltpu.VMEM((bpw, SEQ), jnp.int32),
            pltpu.VMEM((2, SEQ, DB, DW), jnp.float32),
            pltpu.SemaphoreType.DMA,
            pltpu.SemaphoreType.DMA,
            pltpu.SemaphoreType.DMA,
            pltpu.SemaphoreType.DMA,
        ],
    )
    def k(idx_hbm, table_hbm, out_hbm, idx_v, rows_v, g0, g1, s0, s1):
        gsem = (g0, g1)
        ssem = (s0, s1)
        wid = lax.axis_index("s") * nc + lax.axis_index("c")
        base = wid * bpw
        pltpu.sync_copy(idx_hbm.at[pl.ds(base, bpw)], idx_v)

        def start_gather(i, b):
            pltpu.async_copy(table_hbm.at[idx_v.at[i]], rows_v.at[b], gsem[b])

        def wait_gather(b):
            pltpu.make_async_copy(
                table_hbm.at[pl.ds(0, SEQ)], rows_v.at[b], gsem[b]
            ).wait()

        def start_store(i, b):
            pltpu.async_copy(
                rows_v.at[b, :, pl.ds(0, DO), pl.ds(0, 128)],
                out_hbm.at[base + i],
                ssem[b],
            )

        def wait_store(b):
            pltpu.make_async_copy(
                rows_v.at[b, :, pl.ds(0, DO), pl.ds(0, 128)],
                out_hbm.at[base],
                ssem[b],
            ).wait()

        start_gather(0, 0)
        start_gather(1, 1)

        def body(j, carry):
            for b in range(2):
                i = j * 2 + b
                wait_gather(b)
                start_store(i, b)

                @pl.when(i + 2 < bpw)
                def _():
                    wait_store(b)
                    start_gather(i + 2, b)

            return carry

        lax.fori_loop(0, bpw // 2, body, 0)
        wait_store(0)
        wait_store(1)

    return k


def kernel(idx, table):
    batch, seq = idx.shape
    v, d = table.shape
    do = -(-d // 128) * 128
    db = do // 128 + 1
    dw = 136
    t = jnp.pad(table, ((0, 0), (0, do - d))).reshape(v, do // 128, 128)
    tab3 = jnp.pad(t, ((0, 0), (0, 1), (0, dw - 128)))
    out = _build_gather(batch, seq, v, db, dw)(idx, tab3)
    y = out.reshape(batch, seq, do)
    return y[:, :, :d]

# --- scband reference (transcript-rebuilt; emitter-appended) ---
"""Pipeline reference for scband-bigram-model-52467320488084 (READ-ONLY COPY).

The authoritative reference and input builder live on the scoring server;
editing this copy changes nothing except your own understanding.
"""

import jax, jax.numpy as jnp
import numpy as np

VOCAB = 1000
BATCH = 1024
SEQ = 50

def setup_inputs(seed: int = 0) -> dict:
    key = jax.random.key(seed)
    k_idx, k_tab = jax.random.split(key)
    idx = jax.random.randint(k_idx, (BATCH, SEQ), 0, VOCAB, dtype=jnp.int64) if jax.config.jax_enable_x64 else jax.random.randint(k_idx, (BATCH, SEQ), 0, VOCAB, dtype=jnp.int32)
    table = jax.random.normal(k_tab, (VOCAB, VOCAB), dtype=jnp.float32)
    return {"idx": idx, "table": table}

def reference(idx, table):
    # nn.Embedding(vocab_size, vocab_size): logits = table[idx]
    logits = jnp.take(table, idx, axis=0)
    return logits

if __name__ == "__main__":
    import jax
    _d = setup_inputs()
    print(jax.jit(kernel)(*tuple(_d.values())))

</pallas_src>

<mosaic_0001>
#map = affine_map<(d0, d1) -> (0, 0)>
#map1 = affine_map<(d0, d1) -> (0, 0, 0)>
#map2 = affine_map<(d0, d1) -> (0, 0, 0, 0)>
module attributes {stable_mosaic.version = 14 : i64} {
  func.func @k(%arg0: i32, %arg1: i32, %arg2: memref<1024x50xi32, #tpu.memory_space<hbm>>, %arg3: memref<1000x9x136xf32, #tpu.memory_space<hbm>>, %arg4: memref<1024x50x8x128xf32, #tpu.memory_space<hbm>>, %arg5: memref<32x50xi32, #tpu.memory_space<vmem>>, %arg6: memref<2x50x9x136xf32, #tpu.memory_space<vmem>>, %arg7: memref<!tpu.dma_semaphore, #tpu.memory_space<semaphore_mem>>, %arg8: memref<!tpu.dma_semaphore, #tpu.memory_space<semaphore_mem>>, %arg9: memref<!tpu.dma_semaphore, #tpu.memory_space<semaphore_mem>>, %arg10: memref<!tpu.dma_semaphore, #tpu.memory_space<semaphore_mem>>) attributes {dimension_semantics = [#tpu.dimension_semantics<core_parallel>, #tpu.dimension_semantics<subcore_parallel>], iteration_bounds = array<i64: 2, 16>, scalar_prefetch = 0 : i64, scratch_operands = 6 : i64, tpu.core_type = #tpu.core_type<sc_vector_subcore>, window_params = [{transform_indices = #map}, {transform_indices = #map1}, {transform_indices = #map2}]} {
    %mul3A = arith.constant 2 : i32
    %mul3A_0 = arith.muli %arg1, %mul3A : i32
    %add3A = arith.addi %mul3A_0, %arg0 : i32
    %mul3A_1 = arith.constant 32 : i32
    %mul3A_2 = arith.muli %add3A, %mul3A_1 : i32
    "tpu.region"() ({
      %run_scoped3A = tpu.sem_alloc : memref<!tpu.dma_semaphore, #tpu.memory_space<semaphore_mem>>
      %dma_start3A_76 = arith.constant 0 : i32
      %dma_start3A_77 = tpu.memref_slice %arg2[%mul3A_2, %dma_start3A_76] : memref<1024x50xi32, #tpu.memory_space<hbm>> -> memref<32x50xi32, #tpu.memory_space<hbm>>
      %dma_start3A_78 = arith.constant 0 : i32
      %dma_start3A_79 = tpu.memref_slice %arg2[%mul3A_2, %dma_start3A_78] : memref<1024x50xi32, #tpu.memory_space<hbm>> -> memref<32x50xi32, #tpu.memory_space<hbm>>
      tpu.enqueue_dma source(%dma_start3A_79 : memref<32x50xi32, #tpu.memory_space<hbm>>) target(%arg5 : memref<32x50xi32, #tpu.memory_space<vmem>>) target_semaphore(%run_scoped3A : memref<!tpu.dma_semaphore, #tpu.memory_space<semaphore_mem>>)
      %dma_wait3A_80 = arith.constant 0 : i32
      %dma_wait3A_81 = tpu.memref_slice %arg2[%mul3A_2, %dma_wait3A_80] : memref<1024x50xi32, #tpu.memory_space<hbm>> -> memref<32x50xi32, #tpu.memory_space<hbm>>
      %dma_wait3A_82 = arith.constant 0 : i32
      %dma_wait3A_83 = tpu.memref_slice %arg2[%mul3A_2, %dma_wait3A_82] : memref<1024x50xi32, #tpu.memory_space<hbm>> -> memref<32x50xi32, #tpu.memory_space<hbm>>
      tpu.wait_dma2 semaphore(%run_scoped3A : memref<!tpu.dma_semaphore, #tpu.memory_space<semaphore_mem>>) src(%dma_wait3A_83 : memref<32x50xi32, #tpu.memory_space<hbm>>) dst(%arg5 : memref<32x50xi32, #tpu.memory_space<vmem>>)
      tpu.yield
    }) : () -> ()
    %dma_start3A = arith.constant 0 : i32
    %dma_start3A_3 = arith.constant 0 : i32
    %dma_start3A_4 = arith.constant 0 : i32
    %dma_start3A_5 = arith.constant 0 : i32
    %dma_start3A_6 = arith.constant 0 : i32
    %dma_start3A_7 = tpu.memref_slice %arg6[%dma_start3A_3, %dma_start3A_4, %dma_start3A_5, %dma_start3A_6] : memref<2x50x9x136xf32, #tpu.memory_space<vmem>> -> memref<1x50x9x136xf32, #tpu.memory_space<vmem>>
    %dma_start3A_8 = tpu.memref_squeeze %dma_start3A_7 : memref<1x50x9x136xf32, #tpu.memory_space<vmem>> -> memref<50x9x136xf32, #tpu.memory_space<vmem>>
    %dma_start3A_9 = arith.constant 0 : i32
    %dma_start3A_10 = tpu.memref_slice %arg5[%dma_start3A, %dma_start3A_9] : memref<32x50xi32, #tpu.memory_space<vmem>> -> memref<1x50xi32, #tpu.memory_space<vmem>>
    %dma_start3A_11 = tpu.memref_squeeze %dma_start3A_10 : memref<1x50xi32, #tpu.memory_space<vmem>> -> memref<50xi32, #tpu.memory_space<vmem>>
    %dma_start3A_12 = arith.constant 0 : i32
    %dma_start3A_13 = arith.constant 0 : i32
    %dma_start3A_14 = arith.constant 0 : i32
    %dma_start3A_15 = tpu.memref_slice %arg3[%dma_start3A_12, %dma_start3A_13, %dma_start3A_14] : memref<1000x9x136xf32, #tpu.memory_space<hbm>> -> memref<1000x9x136xf32, #tpu.memory_space<hbm>>
    tpu.enqueue_indirect_dma source(%dma_start3A_15 : memref<1000x9x136xf32, #tpu.memory_space<hbm>>) target(%dma_start3A_8 : memref<50x9x136xf32, #tpu.memory_space<vmem>>) offsets(%dma_start3A_11 : memref<50xi32, #tpu.memory_space<vmem>>) semaphore(%arg7 : memref<!tpu.dma_semaphore, #tpu.memory_space<semaphore_mem>>)
    %dma_start3A_16 = arith.constant 1 : i32
    %dma_start3A_17 = arith.constant 1 : i32
    %dma_start3A_18 = arith.constant 0 : i32
    %dma_start3A_19 = arith.constant 0 : i32
    %dma_start3A_20 = arith.constant 0 : i32
    %dma_start3A_21 = tpu.memref_slice %arg6[%dma_start3A_17, %dma_start3A_18, %dma_start3A_19, %dma_start3A_20] : memref<2x50x9x136xf32, #tpu.memory_space<vmem>> -> memref<1x50x9x136xf32, #tpu.memory_space<vmem>>
    %dma_start3A_22 = tpu.memref_squeeze %dma_start3A_21 : memref<1x50x9x136xf32, #tpu.memory_space<vmem>> -> memref<50x9x136xf32, #tpu.memory_space<vmem>>
    %dma_start3A_23 = arith.constant 0 : i32
    %dma_start3A_24 = tpu.memref_slice %arg5[%dma_start3A_16, %dma_start3A_23] : memref<32x50xi32, #tpu.memory_space<vmem>> -> memref<1x50xi32, #tpu.memory_space<vmem>>
    %dma_start3A_25 = tpu.memref_squeeze %dma_start3A_24 : memref<1x50xi32, #tpu.memory_space<vmem>> -> memref<50xi32, #tpu.memory_space<vmem>>
    %dma_start3A_26 = arith.constant 0 : i32
    %dma_start3A_27 = arith.constant 0 : i32
    %dma_start3A_28 = arith.constant 0 : i32
    %dma_start3A_29 = tpu.memref_slice %arg3[%dma_start3A_26, %dma_start3A_27, %dma_start3A_28] : memref<1000x9x136xf32, #tpu.memory_space<hbm>> -> memref<1000x9x136xf32, #tpu.memory_space<hbm>>
    tpu.enqueue_indirect_dma source(%dma_start3A_29 : memref<1000x9x136xf32, #tpu.memory_space<hbm>>) target(%dma_start3A_22 : memref<50x9x136xf32, #tpu.memory_space<vmem>>) offsets(%dma_start3A_25 : memref<50xi32, #tpu.memory_space<vmem>>) semaphore(%arg8 : memref<!tpu.dma_semaphore, #tpu.memory_space<semaphore_mem>>)
    %scan3A = arith.constant 0 : i32
    %scan3A_30 = arith.constant 0 : i32
    %scan3A_31 = arith.constant 16 : i32
    %scan3A_32 = arith.addi %scan3A_30, %scan3A_31 : i32
    %scan3A_33 = arith.constant 1 : i32
    scf.for %scan3A_76 = %scan3A_30 to %scan3A_32 step %scan3A_33  : i32 {
      %mul3A_77 = arith.constant 2 : i32
      %mul3A_78 = arith.muli %scan3A_76, %mul3A_77 : i32
      %add3A_79 = arith.constant 0 : i32
      %add3A_80 = arith.addi %mul3A_78, %add3A_79 : i32
      %dma_wait3A_81 = arith.constant 0 : i32
      %dma_wait3A_82 = arith.constant 0 : i32
      %dma_wait3A_83 = arith.constant 0 : i32
      %dma_wait3A_84 = arith.constant 0 : i32
      %dma_wait3A_85 = tpu.memref_slice %arg6[%dma_wait3A_81, %dma_wait3A_82, %dma_wait3A_83, %dma_wait3A_84] : memref<2x50x9x136xf32, #tpu.memory_space<vmem>> -> memref<1x50x9x136xf32, #tpu.memory_space<vmem>>
      %dma_wait3A_86 = tpu.memref_squeeze %dma_wait3A_85 : memref<1x50x9x136xf32, #tpu.memory_space<vmem>> -> memref<50x9x136xf32, #tpu.memory_space<vmem>>
      %dma_wait3A_87 = arith.constant 0 : i32
      %dma_wait3A_88 = arith.constant 0 : i32
      %dma_wait3A_89 = arith.constant 0 : i32
      %dma_wait3A_90 = tpu.memref_slice %arg3[%dma_wait3A_87, %dma_wait3A_88, %dma_wait3A_89] : memref<1000x9x136xf32, #tpu.memory_space<hbm>> -> memref<50x9x136xf32, #tpu.memory_space<hbm>>
      %dma_wait3A_91 = arith.constant 0 : i32
      %dma_wait3A_92 = arith.constant 0 : i32
      %dma_wait3A_93 = arith.constant 0 : i32
      %dma_wait3A_94 = tpu.memref_slice %arg6[%dma_wait3A_81, %dma_wait3A_91, %dma_wait3A_92, %dma_wait3A_93] : memref<2x50x9x136xf32, #tpu.memory_space<vmem>> -> memref<1x50x9x136xf32, #tpu.memory_space<vmem>>
      %dma_wait3A_95 = tpu.memref_squeeze %dma_wait3A_94 : memref<1x50x9x136xf32, #tpu.memory_space<vmem>> -> memref<50x9x136xf32, #tpu.memory_space<vmem>>
      %dma_wait3A_96 = arith.constant 0 : i32
      %dma_wait3A_97 = arith.constant 0 : i32
      %dma_wait3A_98 = arith.constant 0 : i32
      %dma_wait3A_99 = tpu.memref_slice %arg3[%dma_wait3A_96, %dma_wait3A_97, %dma_wait3A_98] : memref<1000x9x136xf32, #tpu.memory_space<hbm>> -> memref<50x9x136xf32, #tpu.memory_space<hbm>>
      tpu.wait_dma2 semaphore(%arg7 : memref<!tpu.dma_semaphore, #tpu.memory_space<semaphore_mem>>) src(%dma_wait3A_99 : memref<50x9x136xf32, #tpu.memory_space<hbm>>) dst(%dma_wait3A_95 : memref<50x9x136xf32, #tpu.memory_space<vmem>>)
      %add3A_100 = arith.addi %mul3A_2, %add3A_80 : i32
      %dma_start3A_101 = arith.constant 0 : i32
      %dma_start3A_102 = arith.constant 0 : i32
      %dma_start3A_103 = arith.constant 0 : i32
      %dma_start3A_104 = arith.constant 0 : i32
      %dma_start3A_105 = tpu.memref_slice %arg6[%dma_start3A_101, %dma_start3A_102, %dma_start3A_103, %dma_start3A_104] : memref<2x50x9x136xf32, #tpu.memory_space<vmem>> -> memref<1x50x8x128xf32, #tpu.memory_space<vmem>>
      %dma_start3A_106 = tpu.memref_squeeze %dma_start3A_105 : memref<1x50x8x128xf32, #tpu.memory_space<vmem>> -> memref<50x8x128xf32, #tpu.memory_space<vmem>>
      %dma_start3A_107 = arith.constant 0 : i32
      %dma_start3A_108 = arith.constant 0 : i32
      %dma_start3A_109 = arith.constant 0 : i32
      %dma_start3A_110 = tpu.memref_slice %arg4[%add3A_100, %dma_start3A_107, %dma_start3A_108, %dma_start3A_109] : memref<1024x50x8x128xf32, #tpu.memory_space<hbm>> -> memref<1x50x8x128xf32, #tpu.memory_space<hbm>>
      %dma_start3A_111 = tpu.memref_squeeze %dma_start3A_110 : memref<1x50x8x128xf32, #tpu.memory_space<hbm>> -> memref<50x8x128xf32, #tpu.memory_space<hbm>>
      %dma_start3A_112 = arith.constant 0 : i32
      %dma_start3A_113 = arith.constant 0 : i32
      %dma_start3A_114 = arith.constant 0 : i32
      %dma_start3A_115 = tpu.memref_slice %arg4[%add3A_100, %dma_start3A_112, %dma_start3A_113, %dma_start3A_114] : memref<1024x50x8x128xf32, #tpu.memory_space<hbm>> -> memref<1x50x8x128xf32, #tpu.memory_space<hbm>>
      %dma_start3A_116 = tpu.memref_squeeze %dma_start3A_115 : memref<1x50x8x128xf32, #tpu.memory_space<hbm>> -> memref<50x8x128xf32, #tpu.memory_space<hbm>>
      %dma_start3A_117 = arith.constant 0 : i32
      %dma_start3A_118 = arith.constant 0 : i32
      %dma_start3A_119 = arith.constant 0 : i32
      %dma_start3A_120 = tpu.memref_slice %arg6[%dma_start3A_101, %dma_start3A_117, %dma_start3A_118, %dma_start3A_119] : memref<2x50x9x136xf32, #tpu.memory_space<vmem>> -> memref<1x50x8x128xf32, #tpu.memory_space<vmem>>
      %dma_start3A_121 = tpu.memref_squeeze %dma_start3A_120 : memref<1x50x8x128xf32, #tpu.memory_space<vmem>> -> memref<50x8x128xf32, #tpu.memory_space<vmem>>
      tpu.enqueue_dma source(%dma_start3A_121 : memref<50x8x128xf32, #tpu.memory_space<vmem>>) target(%dma_start3A_116 : memref<50x8x128xf32, #tpu.memory_space<hbm>>) target_semaphore(%arg9 : memref<!tpu.dma_semaphore, #tpu.memory_space<semaphore_mem>>)
      %add3A_122 = arith.constant 2 : i32
      %add3A_123 = arith.addi %add3A_80, %add3A_122 : i32
      %lt3A = arith.constant 32 : i32
      %lt3A_124 = arith.cmpi slt, %add3A_123, %lt3A : i32
      %convert_element_type3A = arith.extui %lt3A_124 : i1 to i32
      %cond3A = arith.constant 0 : i32
      %cond3A_125 = arith.cmpi ne, %convert_element_type3A, %cond3A : i32
      scf.if %cond3A_125 {
        %dma_wait3A_178 = arith.constant 0 : i32
        %dma_wait3A_179 = arith.constant 0 : i32
        %dma_wait3A_180 = arith.constant 0 : i32
        %dma_wait3A_181 = arith.constant 0 : i32
        %dma_wait3A_182 = tpu.memref_slice %arg6[%dma_wait3A_178, %dma_wait3A_179, %dma_wait3A_180, %dma_wait3A_181] : memref<2x50x9x136xf32, #tpu.memory_space<vmem>> -> memref<1x50x8x128xf32, #tpu.memory_space<vmem>>
        %dma_wait3A_183 = tpu.memref_squeeze %dma_wait3A_182 : memref<1x50x8x128xf32, #tpu.memory_space<vmem>> -> memref<50x8x128xf32, #tpu.memory_space<vmem>>
        %dma_wait3A_184 = arith.constant 0 : i32
        %dma_wait3A_185 = arith.constant 0 : i32
        %dma_wait3A_186 = arith.constant 0 : i32
        %dma_wait3A_187 = tpu.memref_slice %arg4[%mul3A_2, %dma_wait3A_184, %dma_wait3A_185, %dma_wait3A_186] : memref<1024x50x8x128xf32, #tpu.memory_space<hbm>> -> memref<1x50x8x128xf32, #tpu.memory_space<hbm>>
        %dma_wait3A_188 = tpu.memref_squeeze %dma_wait3A_187 : memref<1x50x8x128xf32, #tpu.memory_space<hbm>> -> memref<50x8x128xf32, #tpu.memory_space<hbm>>
        %dma_wait3A_189 = arith.constant 0 : i32
        %dma_wait3A_190 = arith.constant 0 : i32
        %dma_wait3A_191 = arith.constant 0 : i32
        %dma_wait3A_192 = tpu.memref_slice %arg4[%mul3A_2, %dma_wait3A_189, %dma_wait3A_190, %dma_wait3A_191] : memref<1024x50x8x128xf32, #tpu.memory_space<hbm>> -> memref<1x50x8x128xf32, #tpu.memory_space<hbm>>
        %dma_wait3A_193 = tpu.memref_squeeze %dma_wait3A_192 : memref<1x50x8x128xf32, #tpu.memory_space<hbm>> -> memref<50x8x128xf32, #tpu.memory_space<hbm>>
        %dma_wait3A_194 = arith.constant 0 : i32
        %dma_wait3A_195 = arith.constant 0 : i32
        %dma_wait3A_196 = arith.constant 0 : i32
        %dma_wait3A_197 = tpu.memref_slice %arg6[%dma_wait3A_178, %dma_wait3A_194, %dma_wait3A_195, %dma_wait3A_196] : memref<2x50x9x136xf32, #tpu.memory_space<vmem>> -> memref<1x50x8x128xf32, #tpu.memory_space<vmem>>
        %dma_wait3A_198 = tpu.memref_squeeze %dma_wait3A_197 : memref<1x50x8x128xf32, #tpu.memory_space<vmem>> -> memref<50x8x128xf32, #tpu.memory_space<vmem>>
        tpu.wait_dma2 semaphore(%arg9 : memref<!tpu.dma_semaphore, #tpu.memory_space<semaphore_mem>>) src(%dma_wait3A_198 : memref<50x8x128xf32, #tpu.memory_space<vmem>>) dst(%dma_wait3A_193 : memref<50x8x128xf32, #tpu.memory_space<hbm>>)
        %add3A_199 = arith.constant 2 : i32
        %add3A_200 = arith.addi %add3A_80, %add3A_199 : i32
        %dma_start3A_201 = arith.constant 0 : i32
        %dma_start3A_202 = arith.constant 0 : i32
        %dma_start3A_203 = arith.constant 0 : i32
        %dma_start3A_204 = arith.constant 0 : i32
        %dma_start3A_205 = tpu.memref_slice %arg6[%dma_start3A_201, %dma_start3A_202, %dma_start3A_203, %dma_start3A_204] : memref<2x50x9x136xf32, #tpu.memory_space<vmem>> -> memref<1x50x9x136xf32, #tpu.memory_space<vmem>>
        %dma_start3A_206 = tpu.memref_squeeze %dma_start3A_205 : memref<1x50x9x136xf32, #tpu.memory_space<vmem>> -> memref<50x9x136xf32, #tpu.memory_space<vmem>>
        %dma_start3A_207 = arith.constant 0 : i32
        %dma_start3A_208 = tpu.memref_slice %arg5[%add3A_200, %dma_start3A_207] : memref<32x50xi32, #tpu.memory_space<vmem>> -> memref<1x50xi32, #tpu.memory_space<vmem>>
        %dma_start3A_209 = tpu.memref_squeeze %dma_start3A_208 : memref<1x50xi32, #tpu.memory_space<vmem>> -> memref<50xi32, #tpu.memory_space<vmem>>
        %dma_start3A_210 = arith.constant 0 : i32
        %dma_start3A_211 = arith.constant 0 : i32
        %dma_start3A_212 = arith.constant 0 : i32
        %dma_start3A_213 = tpu.memref_slice %arg3[%dma_start3A_210, %dma_start3A_211, %dma_start3A_212] : memref<1000x9x136xf32, #tpu.memory_space<hbm>> -> memref<1000x9x136xf32, #tpu.memory_space<hbm>>
        tpu.enqueue_indirect_dma source(%dma_start3A_213 : memref<1000x9x136xf32, #tpu.memory_space<hbm>>) target(%dma_start3A_206 : memref<50x9x136xf32, #tpu.memory_space<vmem>>) offsets(%dma_start3A_209 : memref<50xi32, #tpu.memory_space<vmem>>) semaphore(%arg7 : memref<!tpu.dma_semaphore, #tpu.memory_space<semaphore_mem>>)
      } else {
      }
      %mul3A_126 = arith.constant 2 : i32
      %mul3A_127 = arith.muli %scan3A_76, %mul3A_126 : i32
      %add3A_128 = arith.constant 1 : i32
      %add3A_129 = arith.addi %mul3A_127, %add3A_128 : i32
      %dma_wait3A_130 = arith.constant 1 : i32
      %dma_wait3A_131 = arith.constant 0 : i32
      %dma_wait3A_132 = arith.constant 0 : i32
      %dma_wait3A_133 = arith.constant 0 : i32
      %dma_wait3A_134 = tpu.memref_slice %arg6[%dma_wait3A_130, %dma_wait3A_131, %dma_wait3A_132, %dma_wait3A_133] : memref<2x50x9x136xf32, #tpu.memory_space<vmem>> -> memref<1x50x9x136xf32, #tpu.memory_space<vmem>>
      %dma_wait3A_135 = tpu.memref_squeeze %dma_wait3A_134 : memref<1x50x9x136xf32, #tpu.memory_space<vmem>> -> memref<50x9x136xf32, #tpu.memory_space<vmem>>
      %dma_wait3A_136 = arith.constant 0 : i32
      %dma_wait3A_137 = arith.constant 0 : i32
      %dma_wait3A_138 = arith.constant 0 : i32
      %dma_wait3A_139 = tpu.memref_slice %arg3[%dma_wait3A_136, %dma_wait3A_137, %dma_wait3A_138] : memref<1000x9x136xf32, #tpu.memory_space<hbm>> -> memref<50x9x136xf32, #tpu.memory_space<hbm>>
      %dma_wait3A_140 = arith.constant 0 : i32
      %dma_wait3A_141 = arith.constant 0 : i32
      %dma_wait3A_142 = arith.constant 0 : i32
      %dma_wait3A_143 = tpu.memref_slice %arg6[%dma_wait3A_130, %dma_wait3A_140, %dma_wait3A_141, %dma_wait3A_142] : memref<2x50x9x136xf32, #tpu.memory_space<vmem>> -> memref<1x50x9x136xf32, #tpu.memory_space<vmem>>
      %dma_wait3A_144 = tpu.memref_squeeze %dma_wait3A_143 : memref<1x50x9x136xf32, #tpu.memory_space<vmem>> -> memref<50x9x136xf32, #tpu.memory_space<vmem>>
      %dma_wait3A_145 = arith.constant 0 : i32
      %dma_wait3A_146 = arith.constant 0 : i32
      %dma_wait3A_147 = arith.constant 0 : i32
      %dma_wait3A_148 = tpu.memref_slice %arg3[%dma_wait3A_145, %dma_wait3A_146, %dma_wait3A_147] : memref<1000x9x136xf32, #tpu.memory_space<hbm>> -> memref<50x9x136xf32, #tpu.memory_space<hbm>>
      tpu.wait_dma2 semaphore(%arg8 : memref<!tpu.dma_semaphore, #tpu.memory_space<semaphore_mem>>) src(%dma_wait3A_148 : memref<50x9x136xf32, #tpu.memory_space<hbm>>) dst(%dma_wait3A_144 : memref<50x9x136xf32, #tpu.memory_space<vmem>>)
      %add3A_149 = arith.addi %mul3A_2, %add3A_129 : i32
      %dma_start3A_150 = arith.constant 1 : i32
      %dma_start3A_151 = arith.constant 0 : i32
      %dma_start3A_152 = arith.constant 0 : i32
      %dma_start3A_153 = arith.constant 0 : i32
      %dma_start3A_154 = tpu.memref_slice %arg6[%dma_start3A_150, %dma_start3A_151, %dma_start3A_152, %dma_start3A_153] : memref<2x50x9x136xf32, #tpu.memory_space<vmem>> -> memref<1x50x8x128xf32, #tpu.memory_space<vmem>>
      %dma_start3A_155 = tpu.memref_squeeze %dma_start3A_154 : memref<1x50x8x128xf32, #tpu.memory_space<vmem>> -> memref<50x8x128xf32, #tpu.memory_space<vmem>>
      %dma_start3A_156 = arith.constant 0 : i32
      %dma_start3A_157 = arith.constant 0 : i32
      %dma_start3A_158 = arith.constant 0 : i32
      %dma_start3A_159 = tpu.memref_slice %arg4[%add3A_149, %dma_start3A_156, %dma_start3A_157, %dma_start3A_158] : memref<1024x50x8x128xf32, #tpu.memory_space<hbm>> -> memref<1x50x8x128xf32, #tpu.memory_space<hbm>>
      %dma_start3A_160 = tpu.memref_squeeze %dma_start3A_159 : memref<1x50x8x128xf32, #tpu.memory_space<hbm>> -> memref<50x8x128xf32, #tpu.memory_space<hbm>>
      %dma_start3A_161 = arith.constant 0 : i32
      %dma_start3A_162 = arith.constant 0 : i32
      %dma_start3A_163 = arith.constant 0 : i32
      %dma_start3A_164 = tpu.memref_slice %arg4[%add3A_149, %dma_start3A_161, %dma_start3A_162, %dma_start3A_163] : memref<1024x50x8x128xf32, #tpu.memory_space<hbm>> -> memref<1x50x8x128xf32, #tpu.memory_space<hbm>>
      %dma_start3A_165 = tpu.memref_squeeze %dma_start3A_164 : memref<1x50x8x128xf32, #tpu.memory_space<hbm>> -> memref<50x8x128xf32, #tpu.memory_space<hbm>>
      %dma_start3A_166 = arith.constant 0 : i32
      %dma_start3A_167 = arith.constant 0 : i32
      %dma_start3A_168 = arith.constant 0 : i32
      %dma_start3A_169 = tpu.memref_slice %arg6[%dma_start3A_150, %dma_start3A_166, %dma_start3A_167, %dma_start3A_168] : memref<2x50x9x136xf32, #tpu.memory_space<vmem>> -> memref<1x50x8x128xf32, #tpu.memory_space<vmem>>
      %dma_start3A_170 = tpu.memref_squeeze %dma_start3A_169 : memref<1x50x8x128xf32, #tpu.memory_space<vmem>> -> memref<50x8x128xf32, #tpu.memory_space<vmem>>
      tpu.enqueue_dma source(%dma_start3A_170 : memref<50x8x128xf32, #tpu.memory_space<vmem>>) target(%dma_start3A_165 : memref<50x8x128xf32, #tpu.memory_space<hbm>>) target_semaphore(%arg10 : memref<!tpu.dma_semaphore, #tpu.memory_space<semaphore_mem>>)
      %add3A_171 = arith.constant 2 : i32
      %add3A_172 = arith.addi %add3A_129, %add3A_171 : i32
      %lt3A_173 = arith.constant 32 : i32
      %lt3A_174 = arith.cmpi slt, %add3A_172, %lt3A_173 : i32
      %convert_element_type3A_175 = arith.extui %lt3A_174 : i1 to i32
      %cond3A_176 = arith.constant 0 : i32
      %cond3A_177 = arith.cmpi ne, %convert_element_type3A_175, %cond3A_176 : i32
      scf.if %cond3A_177 {
        %dma_wait3A_178 = arith.constant 1 : i32
        %dma_wait3A_179 = arith.constant 0 : i32
        %dma_wait3A_180 = arith.constant 0 : i32
        %dma_wait3A_181 = arith.constant 0 : i32
        %dma_wait3A_182 = tpu.memref_slice %arg6[%dma_wait3A_178, %dma_wait3A_179, %dma_wait3A_180, %dma_wait3A_181] : memref<2x50x9x136xf32, #tpu.memory_space<vmem>> -> memref<1x50x8x128xf32, #tpu.memory_space<vmem>>
        %dma_wait3A_183 = tpu.memref_squeeze %dma_wait3A_182 : memref<1x50x8x128xf32, #tpu.memory_space<vmem>> -> memref<50x8x128xf32, #tpu.memory_space<vmem>>
        %dma_wait3A_184 = arith.constant 0 : i32
        %dma_wait3A_185 = arith.constant 0 : i32
        %dma_wait3A_186 = arith.constant 0 : i32
        %dma_wait3A_187 = tpu.memref_slice %arg4[%mul3A_2, %dma_wait3A_184, %dma_wait3A_185, %dma_wait3A_186] : memref<1024x50x8x128xf32, #tpu.memory_space<hbm>> -> memref<1x50x8x128xf32, #tpu.memory_space<hbm>>
        %dma_wait3A_188 = tpu.memref_squeeze %dma_wait3A_187 : memref<1x50x8x128xf32, #tpu.memory_space<hbm>> -> memref<50x8x128xf32, #tpu.memory_space<hbm>>
        %dma_wait3A_189 = arith.constant 0 : i32
        %dma_wait3A_190 = arith.constant 0 : i32
        %dma_wait3A_191 = arith.constant 0 : i32
        %dma_wait3A_192 = tpu.memref_slice %arg4[%mul3A_2, %dma_wait3A_189, %dma_wait3A_190, %dma_wait3A_191] : memref<1024x50x8x128xf32, #tpu.memory_space<hbm>> -> memref<1x50x8x128xf32, #tpu.memory_space<hbm>>
        %dma_wait3A_193 = tpu.memref_squeeze %dma_wait3A_192 : memref<1x50x8x128xf32, #tpu.memory_space<hbm>> -> memref<50x8x128xf32, #tpu.memory_space<hbm>>
        %dma_wait3A_194 = arith.constant 0 : i32
        %dma_wait3A_195 = arith.constant 0 : i32
        %dma_wait3A_196 = arith.constant 0 : i32
        %dma_wait3A_197 = tpu.memref_slice %arg6[%dma_wait3A_178, %dma_wait3A_194, %dma_wait3A_195, %dma_wait3A_196] : memref<2x50x9x136xf32, #tpu.memory_space<vmem>> -> memref<1x50x8x128xf32, #tpu.memory_space<vmem>>
        %dma_wait3A_198 = tpu.memref_squeeze %dma_wait3A_197 : memref<1x50x8x128xf32, #tpu.memory_space<vmem>> -> memref<50x8x128xf32, #tpu.memory_space<vmem>>
        tpu.wait_dma2 semaphore(%arg10 : memref<!tpu.dma_semaphore, #tpu.memory_space<semaphore_mem>>) src(%dma_wait3A_198 : memref<50x8x128xf32, #tpu.memory_space<vmem>>) dst(%dma_wait3A_193 : memref<50x8x128xf32, #tpu.memory_space<hbm>>)
        %add3A_199 = arith.constant 2 : i32
        %add3A_200 = arith.addi %add3A_129, %add3A_199 : i32
        %dma_start3A_201 = arith.constant 1 : i32
        %dma_start3A_202 = arith.constant 0 : i32
        %dma_start3A_203 = arith.constant 0 : i32
        %dma_start3A_204 = arith.constant 0 : i32
        %dma_start3A_205 = tpu.memref_slice %arg6[%dma_start3A_201, %dma_start3A_202, %dma_start3A_203, %dma_start3A_204] : memref<2x50x9x136xf32, #tpu.memory_space<vmem>> -> memref<1x50x9x136xf32, #tpu.memory_space<vmem>>
        %dma_start3A_206 = tpu.memref_squeeze %dma_start3A_205 : memref<1x50x9x136xf32, #tpu.memory_space<vmem>> -> memref<50x9x136xf32, #tpu.memory_space<vmem>>
        %dma_start3A_207 = arith.constant 0 : i32
        %dma_start3A_208 = tpu.memref_slice %arg5[%add3A_200, %dma_start3A_207] : memref<32x50xi32, #tpu.memory_space<vmem>> -> memref<1x50xi32, #tpu.memory_space<vmem>>
        %dma_start3A_209 = tpu.memref_squeeze %dma_start3A_208 : memref<1x50xi32, #tpu.memory_space<vmem>> -> memref<50xi32, #tpu.memory_space<vmem>>
        %dma_start3A_210 = arith.constant 0 : i32
        %dma_start3A_211 = arith.constant 0 : i32
        %dma_start3A_212 = arith.constant 0 : i32
        %dma_start3A_213 = tpu.memref_slice %arg3[%dma_start3A_210, %dma_start3A_211, %dma_start3A_212] : memref<1000x9x136xf32, #tpu.memory_space<hbm>> -> memref<1000x9x136xf32, #tpu.memory_space<hbm>>
        tpu.enqueue_indirect_dma source(%dma_start3A_213 : memref<1000x9x136xf32, #tpu.memory_space<hbm>>) target(%dma_start3A_206 : memref<50x9x136xf32, #tpu.memory_space<vmem>>) offsets(%dma_start3A_209 : memref<50xi32, #tpu.memory_space<vmem>>) semaphore(%arg8 : memref<!tpu.dma_semaphore, #tpu.memory_space<semaphore_mem>>)
      } else {
      }
    }
    %scan3A_34 = arith.constant 16 : i32
    %dma_wait3A = arith.constant 0 : i32
    %dma_wait3A_35 = arith.constant 0 : i32
    %dma_wait3A_36 = arith.constant 0 : i32
    %dma_wait3A_37 = arith.constant 0 : i32
    %dma_wait3A_38 = tpu.memref_slice %arg6[%dma_wait3A, %dma_wait3A_35, %dma_wait3A_36, %dma_wait3A_37] : memref<2x50x9x136xf32, #tpu.memory_space<vmem>> -> memref<1x50x8x128xf32, #tpu.memory_space<vmem>>
    %dma_wait3A_39 = tpu.memref_squeeze %dma_wait3A_38 : memref<1x50x8x128xf32, #tpu.memory_space<vmem>> -> memref<50x8x128xf32, #tpu.memory_space<vmem>>
    %dma_wait3A_40 = arith.constant 0 : i32
    %dma_wait3A_41 = arith.constant 0 : i32
    %dma_wait3A_42 = arith.constant 0 : i32
    %dma_wait3A_43 = tpu.memref_slice %arg4[%mul3A_2, %dma_wait3A_40, %dma_wait3A_41, %dma_wait3A_42] : memref<1024x50x8x128xf32, #tpu.memory_space<hbm>> -> memref<1x50x8x128xf32, #tpu.memory_space<hbm>>
    %dma_wait3A_44 = tpu.memref_squeeze %dma_wait3A_43 : memref<1x50x8x128xf32, #tpu.memory_space<hbm>> -> memref<50x8x128xf32, #tpu.memory_space<hbm>>
    %dma_wait3A_45 = arith.constant 0 : i32
    %dma_wait3A_46 = arith.constant 0 : i32
    %dma_wait3A_47 = arith.constant 0 : i32
    %dma_wait3A_48 = tpu.memref_slice %arg4[%mul3A_2, %dma_wait3A_45, %dma_wait3A_46, %dma_wait3A_47] : memref<1024x50x8x128xf32, #tpu.memory_space<hbm>> -> memref<1x50x8x128xf32, #tpu.memory_space<hbm>>
    %dma_wait3A_49 = tpu.memref_squeeze %dma_wait3A_48 : memref<1x50x8x128xf32, #tpu.memory_space<hbm>> -> memref<50x8x128xf32, #tpu.memory_space<hbm>>
    %dma_wait3A_50 = arith.constant 0 : i32
    %dma_wait3A_51 = arith.constant 0 : i32
    %dma_wait3A_52 = arith.constant 0 : i32
    %dma_wait3A_53 = tpu.memref_slice %arg6[%dma_wait3A, %dma_wait3A_50, %dma_wait3A_51, %dma_wait3A_52] : memref<2x50x9x136xf32, #tpu.memory_space<vmem>> -> memref<1x50x8x128xf32, #tpu.memory_space<vmem>>
    %dma_wait3A_54 = tpu.memref_squeeze %dma_wait3A_53 : memref<1x50x8x128xf32, #tpu.memory_space<vmem>> -> memref<50x8x128xf32, #tpu.memory_space<vmem>>
    tpu.wait_dma2 semaphore(%arg9 : memref<!tpu.dma_semaphore, #tpu.memory_space<semaphore_mem>>) src(%dma_wait3A_54 : memref<50x8x128xf32, #tpu.memory_space<vmem>>) dst(%dma_wait3A_49 : memref<50x8x128xf32, #tpu.memory_space<hbm>>)
    %dma_wait3A_55 = arith.constant 1 : i32
    %dma_wait3A_56 = arith.constant 0 : i32
    %dma_wait3A_57 = arith.constant 0 : i32
    %dma_wait3A_58 = arith.constant 0 : i32
    %dma_wait3A_59 = tpu.memref_slice %arg6[%dma_wait3A_55, %dma_wait3A_56, %dma_wait3A_57, %dma_wait3A_58] : memref<2x50x9x136xf32, #tpu.memory_space<vmem>> -> memref<1x50x8x128xf32, #tpu.memory_space<vmem>>
    %dma_wait3A_60 = tpu.memref_squeeze %dma_wait3A_59 : memref<1x50x8x128xf32, #tpu.memory_space<vmem>> -> memref<50x8x128xf32, #tpu.memory_space<vmem>>
    %dma_wait3A_61 = arith.constant 0 : i32
    %dma_wait3A_62 = arith.constant 0 : i32
    %dma_wait3A_63 = arith.constant 0 : i32
    %dma_wait3A_64 = tpu.memref_slice %arg4[%mul3A_2, %dma_wait3A_61, %dma_wait3A_62, %dma_wait3A_63] : memref<1024x50x8x128xf32, #tpu.memory_space<hbm>> -> memref<1x50x8x128xf32, #tpu.memory_space<hbm>>
    %dma_wait3A_65 = tpu.memref_squeeze %dma_wait3A_64 : memref<1x50x8x128xf32, #tpu.memory_space<hbm>> -> memref<50x8x128xf32, #tpu.memory_space<hbm>>
    %dma_wait3A_66 = arith.constant 0 : i32
    %dma_wait3A_67 = arith.constant 0 : i32
    %dma_wait3A_68 = arith.constant 0 : i32
    %dma_wait3A_69 = tpu.memref_slice %arg4[%mul3A_2, %dma_wait3A_66, %dma_wait3A_67, %dma_wait3A_68] : memref<1024x50x8x128xf32, #tpu.memory_space<hbm>> -> memref<1x50x8x128xf32, #tpu.memory_space<hbm>>
    %dma_wait3A_70 = tpu.memref_squeeze %dma_wait3A_69 : memref<1x50x8x128xf32, #tpu.memory_space<hbm>> -> memref<50x8x128xf32, #tpu.memory_space<hbm>>
    %dma_wait3A_71 = arith.constant 0 : i32
    %dma_wait3A_72 = arith.constant 0 : i32
    %dma_wait3A_73 = arith.constant 0 : i32
    %dma_wait3A_74 = tpu.memref_slice %arg6[%dma_wait3A_55, %dma_wait3A_71, %dma_wait3A_72, %dma_wait3A_73] : memref<2x50x9x136xf32, #tpu.memory_space<vmem>> -> memref<1x50x8x128xf32, #tpu.memory_space<vmem>>
    %dma_wait3A_75 = tpu.memref_squeeze %dma_wait3A_74 : memref<1x50x8x128xf32, #tpu.memory_space<vmem>> -> memref<50x8x128xf32, #tpu.memory_space<vmem>>
    tpu.wait_dma2 semaphore(%arg10 : memref<!tpu.dma_semaphore, #tpu.memory_space<semaphore_mem>>) src(%dma_wait3A_75 : memref<50x8x128xf32, #tpu.memory_space<vmem>>) dst(%dma_wait3A_70 : memref<50x8x128xf32, #tpu.memory_space<hbm>>)
    return
  }
}

</mosaic_0001>

<sc_bundles>
// kernel: kernel.3.cloned.1.call-start
scs
__scs_entry_jumppad:
0x0: {  	(pc) =	sbr.rel $0x88, $3  }
0x1: {  	(tag) =	ssettag $0x0;
	lr =	simm.s32 $0x1  }
0x2: {  	[smem:$0x3F9F] =	sst lr;
	_ =	strace $0xD0000000  }
0x3: {  	_ = 	snop  }
0x4: {  	_ = 	snop  }
0x5: {  	_ = 	snop  }
0x6: {  	_ = 	snop  }
0x7: {  	_ = 	snop  }
__scs_overlays_trampoline_lowered:
0x8: {  	[smem:$0x3FAE] =	sst s0  }
0x9: {  	[smem:$0x3FAF] =	sst s1  }
0xa: {  	[smem:$0x3FB0] =	sst s2  }
0xb: {  	[smem:$0x3FB1] =	sst s3  }
0xc: {  	[smem:$0x3FB2] =	sst s4  }
0xd: {  	[smem:$0x3FB3] =	sst s5  }
0xe: {  	[smem:$0x3FB4] =	sst s6  }
0xf: {  	[smem:$0x3FB5] =	sst s7  }
0x10: {  	[smem:$0x3FB6] =	sst s8  }
0x11: {  	[smem:$0x3FB7] =	sst s9;
	s0 =	simm.s32 @!p0 $0x0  }
0x12: {  	s1 =	sld [smem:$0x3F9D];
	s0 =	simm.s32 @p0 $0x1  }
0x13: {  	[smem:$0x3FB8] =	sst s0;
	s0 =	simm.s32 @!p1 $0x0  }
0x14: {  	s2 =	sld [smem:$0x3F9C];
	s0 =	simm.s32 @p1 $0x1  }
0x15: {  	[smem:$0x3FB9] =	sst s0;
	s0 =	simm.s32 @!p2 $0x0  }
0x16: {  	s3 =	sld [smem:$0x3FDB];
	s0 =	simm.s32 @p2 $0x1  }
0x17: {  	s4 =	simm.s32 $0x1BF5;
	[smem:$0x3FBB] =	sst s0  }
0x18: {  	s0 =	sld [smem:$0x3F9E];
	_ =	swait.ge [sflag:s4], $0x0  }
0x19: {  	s7 =	sld [smem:$0x3F9F]  }
0x1a: {  	s8 =	sadd.s32 $0xFFFFE003, lr  }
0x1b: {  	s9 =	sadd.s32 $0xFFFFFEF7, lr;
	s5 =	simm.s32 $0xFFFFFFFF;
	p2 =	slt.u32 s8, $0xFFFFF086  }
0x1c: {  	p1 =	slt.u32 s9, $0xF7A;
	s5 =	simm.s32 @!p2 $0x0  }
0x1d: {  	s5 =	simm.s32 @p1 $0x1;
	p0 =	seq.s32 s7, s2  }
0x1e: {  	s7 =	smul.u32 @!p0 $0xF7A, s2;
	p2 =	seq.s32 @!p0 s5, $0x0  }
0x1f: {  	s9 =	smul.u32 $0xF7A, s1;
	s8 =	simm.s32 @!p0 $0x1BF5;
	p2 =	por !p2, p0  }
0x20: {  	[sflag:s8] =	ssyncset.s32 @!p0 $0xFFFFF086;
	s6 =	sadd.s32 @!p0 s3, s7;
	s7 =	simm.s32 @!p0 $0x108  }
0x21: {  	s3 =	sadd.s32 s3, s9;
	s6 =	sadd.s32 @!p0 $0x88, s6;
	s7 =	simm.s32 @p2 $0x1082  }
0x22: {  	[simem:s7], [sflag:s8] =	dma.local @!p0 [hbm:s6], $0xF7A  }
0x23: {  	s9 =	sor.u32 $0xD0000000, s2;
	s6 =	simm.s32 $0x108;
	_ =	swait.ge @!p0 [sflag:s8], $0x0  }
0x24: {  	s3 =	sadd.s32 $0x88, s3;
	s6 =	simm.s32 @!p1 $0x1082;
	[sflag:s4] =	ssyncset.s32 $0xFFFFF086  }
0x25: {  	[simem:s6], [sflag:s4] =	dma.local [hbm:s3], $0xF7A  }
0x26: {  	[smem:$0x3F9F] =	sst s1;
	(tag) =	ssettag s2;
	_ =	strace s9  }
0x27: {  	s1 =	sld [smem:$0x3FAF]  }
0x28: {  	s2 =	sld [smem:$0x3FB0]  }
0x29: {  	s4 =	sld [smem:$0x3FB2]  }
0x2a: {  	p0 =	seq.s32 s5, $0x0;
	s5 =	sld [smem:$0x3FB3]  }
0x2b: {  	s6 =	sld [smem:$0x3FB4]  }
0x2c: {  	s7 =	sld [smem:$0x3FB5]  }
0x2d: {  	s3 =	simm.s32 $0x108;
	s8 =	sld [smem:$0x3FB6]  }
0x2e: {  	s3 =	simm.s32 @!p0 $0x1082;
	s9 =	sld [smem:$0x3FB7]  }
0x2f: {  	lr =	sadd.s32 s0, s3;
	s0 =	sld [smem:$0x3FAE]  }
0x30: {  	s3 =	sld [smem:$0x3FB1]  }
0x31: {  	[smem:$0x3FBA] =	sst s10  }
0x32: {  	s10 =	sld [smem:$0x3FB8];
	_ =	sdelay $0x3  }
0x33: {  	p0 =	seq.s32 s10, $0x1;
	s10 =	sld [smem:$0x3FBA];
	_ =	sdelay $0x3  }
0x34: {  	[smem:$0x3FBA] =	sst s10  }
0x35: {  	s10 =	sld [smem:$0x3FB9];
	_ =	sdelay $0x3  }
0x36: {  	p1 =	seq.s32 s10, $0x1;
	s10 =	sld [smem:$0x3FBA];
	_ =	sdelay $0x3  }
0x37: {  	[smem:$0x3FBA] =	sst s10  }
0x38: {  	s10 =	sld [smem:$0x3FBB]  }
0x39: {  	_ = 	snop;
	(pc) =	sbr.ind lr, $3  }
0x3a: {  	_ = 	snop  }
0x3b: {  	_ = 	snop  }
0x3c: {  	p2 =	seq.s32 s10, $0x1;
	s10 =	sld [smem:$0x3FBA]  }
0x3d: {  	_ =	shalt  }
0x3e: {  	_ =	shalt  }
0x3f: {  	_ =	shalt  }
0x40: {  	_ =	shalt  }
0x41: {  	_ =	shalt  }
0x42: {  	_ =	shalt  }
0x43: {  	_ =	shalt  }
0x44: {  	_ =	shalt  }
0x45: {  	_ =	shalt  }
0x46: {  	_ =	shalt  }
0x47: {  	_ =	shalt  }
0x48: {  	_ =	shalt  }
0x49: {  	_ =	shalt  }
0x4a: {  	_ =	shalt  }
0x4b: {  	_ =	shalt  }
0x4c: {  	_ =	shalt  }
0x4d: {  	_ =	shalt  }
0x4e: {  	_ =	shalt  }
0x4f: {  	_ =	shalt  }
0x50: {  	_ =	shalt  }
0x51: {  	_ =	shalt  }
0x52: {  	_ =	shalt  }
0x53: {  	_ =	shalt  }
0x54: {  	_ =	shalt  }
0x55: {  	_ =	shalt  }
0x56: {  	_ =	shalt  }
0x57: {  	_ =	shalt  }
0x58: {  	_ =	shalt  }
0x59: {  	_ =	shalt  }
0x5a: {  	_ =	shalt  }
0x5b: {  	_ =	shalt  }
0x5c: {  	_ =	shalt  }
0x5d: {  	_ =	shalt  }
0x5e: {  	_ =	shalt  }
0x5f: {  	_ =	shalt  }
0x60: {  	_ =	shalt  }
0x61: {  	_ =	shalt  }
0x62: {  	_ =	shalt  }
0x63: {  	_ =	shalt  }
0x64: {  	_ =	shalt  }
0x65: {  	_ =	shalt  }
0x66: {  	_ =	shalt  }
0x67: {  	_ =	shalt  }
0x68: {  	_ =	shalt  }
0x69: {  	_ =	shalt  }
0x6a: {  	_ =	shalt  }
0x6b: {  	_ =	shalt  }
0x6c: {  	_ =	shalt  }
0x6d: {  	_ =	shalt  }
0x6e: {  	_ =	shalt  }
0x6f: {  	_ =	shalt  }
0x70: {  	_ =	shalt  }
0x71: {  	_ =	shalt  }
0x72: {  	_ =	shalt  }
0x73: {  	_ =	shalt  }
0x74: {  	_ =	shalt  }
0x75: {  	_ =	shalt  }
0x76: {  	_ =	shalt  }
0x77: {  	_ =	shalt  }
0x78: {  	_ =	shalt  }
0x79: {  	_ =	shalt  }
0x7a: {  	_ =	shalt  }
0x7b: {  	_ =	shalt  }
0x7c: {  	_ =	shalt  }
0x7d: {  	_ =	shalt  }
0x7e: {  	_ =	shalt  }
0x7f: {  	_ =	shalt  }
0x80: {  	_ =	shalt  }
0x81: {  	_ =	shalt  }
0x82: {  	_ =	shalt  }
0x83: {  	_ =	shalt  }
0x84: {  	_ =	shalt  }
0x85: {  	_ =	shalt  }
0x86: {  	_ =	shalt  }
0x87: {  	_ =	shalt  }
.Lfunc_end0:
.L_simem_size_0:
called_computation.1_lowered:
.L_overlay_start_0:
0x88: {  	s2 =	sld [smem:$0x3FD9]  }
0x89: {  	s3 =	sld [smem:$0x3FFE];
	_ =	sdelay $0x1  }
0x8a: {  	s1 =	srdreg.scid  }
0x8b: {  	s0 =	sand.u32 $0x1, s1  }
0x8c: {  	s17 =	sshll.u32 s0, $0xA;
	s2 =	sadd.s32 s3, s2  }
0x8d: {  	s2 =	sadd.s32 s2, s17  }
0x8e: {  	[smem:$0x3FC6] =	sst s2  }
0x8f: {  	_ = 	snop  }
0x90: {  	s2 =	sld [smem:$0x3FD0];
	(tm) =	ssettm $0x1  }
0x91: {  	s18 =	sld [smem:$0x3FFB];
	_ =	sdelay $0x3  }
0x92: {  	_ =	strace s18  }
0x93: {  	s3 =	sld [smem:$0x3FFC];
	_ =	sdelay $0x3  }
0x94: {  	_ =	strace s3  }
0x95: {  	s3 =	sld [smem:$0x3FFD];
	_ =	sdelay $0x3  }
0x96: {  	_ =	strace s3  }
0x97: {  	_ =	strace $0x8FFFFFFF  }
0x98: {  	s19 =	sld [smem:$0x3FDB];
	_ =	sdelay $0x1  }
0x99: {  	s4 =	simm.s32 $_scs_section_size  }
0x9a: {  	s5 =	simm.s32 $_size__tile_overlayer_lowered;
	s6 =	simm.s32 $_tile_overlayer_lowered  }
0x9b: {  	s22 =	simm.s32 $0x1BFF;
	s21 =	sshll.u32 s6, $0x1;
	s3 =	sadd.s32 s4, s19  }
0x9c: {  	s7 =	simm.s32 $0x0;
	s20 =	sshll.u32 s5, $0x1;
	s5 =	sadd.s32 s21, s3  }
0x9d: {  	[timem:s7], [sflag:s22] =	dma.local [hbm:s5], s20  }
0x9e: {  	_ =	swait.ge [sflag:s22], s20  }
0x9f: {  	s4 =	ssub.s32 $0x0, s20;
	[sflag:s22] =	ssyncset.done $0x0  }
0xa0: {  	[sflag:s22] =	ssyncadd.s32 s4;
	_ =	sdelay $0x1  }
0xa1: {  	s23 =	simm.s32 $0x1B8B  }
0xa2: {  	_ =	swait.ge [sflag:s23], $0x1  }
0xa3: {  	[sflag:s23] =	ssyncset.done $0x0  }
0xa4: {  	s25 =	simm.s32 $0x1B8E;
	s24 =	sld [smem:$0x3FFE];
	[sflag:s23] =	ssyncadd.s32 $0xFFFFFFFF  }
0xa5: {  	s26 =	simm.s32 $execute0_lowered;
	[smem:$0x3FD2] =	sst s25  }
0xa6: {  	s5 =	sshll.u32 s26, $0x1;
	_ =	strace $0x80000046;
	[dreg:$0x1] =	wrdreg $0xFFFFFFFF  }
0xa7: {  	s28 =	simm.s32 $_size_execute0_lowered;
	s3 =	sadd.s32 s3, s5;
	[dreg:$0x0] =	wrdreg $0x0  }
0xa8: {  	s5 =	sshll.u32 s28, $0x1;
	[dreg:$0x2] =	wrdreg s3  }
0xa9: {  	[dreg:$0x3] =	wrdreg s5  }
0xaa: {  	[dreg:$0x4] =	wrdreg $0xC0  }
0xab: {  	_ =	task [dreg:s7], $0x5FFFF  }
0xac: {  	[dreg:$0x1] =	wrdreg $0xFFFFFFFF  }
0xad: {  	[dreg:$0x0] =	wrdreg $0x60  }
0xae: {  	[dreg:$0x2] =	wrdreg s24  }
0xaf: {  	[dreg:$0x3] =	wrdreg s2  }
0xb0: {  	[dreg:$0x4] =	wrdreg $0x9  }
0xb1: {  	_ =	task.clear_ibuf [dreg:s7], $0x5FFFF;
	_ =	strace $0x90000046  }
0xb2: {  	s29 =	simm.s32 $0x9;
	_ =	strace $0x80000048  }
0xb3: {  	_ =	swait.ge [sflag:s29], $0x1  }
0xb4: {  	[sflag:s29] =	ssyncadd.s32 $0xFFFFFFFF  }
0xb5: {  	_ =	strace $0x90000048  }
0xb6: {  	_ =	sfence  }
0xb7: {  	s30 =	sld [smem:$0x0];
	_ =	sdelay $0x2  }
0xb8: {  	s31 =	sshll.u32 s1, $0xD;
	s1 =	sshrl.u32 s1, $0x2  }
0xb9: {  	s3 =	sand.u32 $0x4000, s31;
	s1 =	sadd.s32 s1, s30  }
0xba: {  	s0 =	sor.u32 s3, s0;
	s1 =	sshll.u32 s1, $0x11  }
0xbb: {  	s0 =	sor.u32 s1, s0  }
0xbc: {  	s0 =	sadd.s32 $0x8F2B, s0  }
0xbd: {  	[sflag:s0] =	ssyncadd.remote.s32 $0x1  }
0xbe: {  	_ =	sfence.sel $0xFFFF  }
0xbf: {  	[dreg:$0x0] =	wrdreg $0xFFFFFFFF;
	(pc) =	sbr.abs _section_cstart, $3  }
0xc0: {  	[dreg:$0x1] =	wrdreg $0xFFFFFFFF  }
0xc1: {  	_ =	task.clear_ibuf [dreg:s7], $0x2FFFF;
	_ =	strace $0x9FFFFFFF  }
0xc2: {  	(tm) =	ssettm $0x7FFFFFFF  }
0xc3: {  	_ =	shalt  }
tec
execute0_lowered:
.L_overlay_start_1:
0x0: {  	(tag) =	ssettag $0x1  }
0x1: {  	s1 =	srdreg.scid;
	s5 =	rddreg [dreg:$0x0]  }
0x2: {  	s0 =	stileid.u32;
	s2 =	rddreg [dreg:$0x1]  }
0x3: {  	s3 =	simm.s32 $0x0;
	s9 =	simm.s32 $0x32;
	s10 =	simm.s32 $0x700  }
0x4: {  	s11 =	simm.s32 $0x38;
	s12 =	simm.s32 $0xF610;
	s13 =	simm.s32 $0x1  }
0x5: {  	s14 =	simm.s32 $0x2;
	s15 =	simm.s32 $0x3;
	s6 =	sand.u32 $0x1, s1  }
0x6: {  	s16 =	simm.s32 $0x4;
	s4 =	sshll.u32 s0, $0x6;
	s7 =	sshll.u32 s6, $0x5  }
.Ltmp0:
0x7: {  	s17 =	simm.s32 $0x0;
	s4 =	sor.u32 s7, s4;
	(pc) =	sbr.rel .LBB2_1-.Ltmp0, $4  }
0x8: {  	[smem:$0x7FF] =	sst s3;
	s6 =	ssub.s32 $0x2, s6;
	s7 =	smul.u32 $0x7, s4  }
0x9: {  	s1 =	rddreg [dreg:$0x2];
	_ =	strace $0x80000047;
	s8 =	sshrl.u32 s6, $0x1  }
0xa: {  	s8 =	ssub.s32 s6, s8;
	s7 =	sadd.s32 s7, s5;
	s5 =	sadd.s32 $0x2400, s5  }
0xb: {  	s6 =	sadd.s32 $0x800, s7;
	s7 =	smax.u32 s8, $0x1;
	s8 =	simm.s32 $0x5  }
.LBB2_8:
0xc: {  	s17 =	sadd.s32 $0x1, s17  }
0xd: {  	_ =	swait.ge [sflag:s15], $0xC800;
	p0 =	sne.s32 s17, s7  }
.Ltmp1:
0xe: {  	[sflag:s15] =	ssyncset.done $0x0;
	(pc) =	sbr.rel @!p0 .LBB2_9-.Ltmp1, $4  }
0xf: {  	[sflag:s15] =	ssyncadd.s32 $0xFFFF3800  }
0x10: {  	_ =	swait.ge [sflag:s16], $0xC800  }
0x11: {  	[sflag:s16] =	ssyncset.done $0x0  }
0x12: {  	[sflag:s16] =	ssyncadd.s32 $0xFFFF3800  }
.LBB2_1:
0x13: {  	[tilespmem:s3], [sflag:$0x5] =	stream.linear.gather [hbm4b:s6+s3], $0x700, $0x38;
	[tilespmem:$0x1E520] =	vst v63  }
0x14: {  	_ =	swait.ge [sflag:s8], $0x700  }
0x15: {  	[sflag:s8] =	ssyncset.done $0x0  }
0x16: {  	[sflag:s8] =	ssyncadd.s32 $0xFFFFF900  }
0x17: {  	[tilespmem:s10], [sflag:$0x1] =	stream.indirect.gather [hbm4b:s2+s9], $0x4C8, s3, s9, $0xb8;
	[tilespmem:$0x1E520] =	vst v63  }
0x18: {  	s18 =	simm.s32 $0x0  }
0x19: {  	[tilespmem:s12], [sflag:$0x2] =	stream.indirect.gather [hbm4b:s2+s9], $0x4C8, s11, s9, $0xb8;
	[tilespmem:$0x1E520] =	vst v63  }
.LBB2_2:
0x1a: {  	s19 =	sshll.u32 s18, $0x1  }
0x1b: {  	s20 =	sadd.s32 s4, s19  }
0x1c: {  	_ =	swait.ge [sflag:s13], $0xEF10;
	s20 =	smul.u32 $0x1900, s20  }
0x1d: {  	[sflag:s13] =	ssyncset.done $0x0  }
0x1e: {  	s28 =	simm.s32 $0x700;
	[sflag:s13] =	ssyncadd.s32 $0xFFFF10F0;
	s21 =	sadd.s32 s5, s20  }
0x1f: {  	[hbm4b:s21+s3] =	stream.linear.scatter [tilespmem:s28], [sflag:$0x3], $0x80, $0x38;
	[tilespmem:$0x1E520] =	vst v63  }
0x20: {  	s29 =	simm.s32 $0x788;
	s22 =	sadd.s32 $0x10, s21  }
0x21: {  	[hbm4b:s22+s3] =	stream.linear.scatter [tilespmem:s29], [sflag:$0x3], $0x80, $0x38;
	[tilespmem:$0x1E520] =	vst v63  }
0x22: {  	s30 =	simm.s32 $0x810;
	s23 =	simm.s32 $0x898;
	s31 =	sadd.s32 $0x20, s21  }
0x23: {  	[hbm4b:s31+s3] =	stream.linear.scatter [tilespmem:s30], [sflag:$0x3], $0x80, $0x38;
	[tilespmem:$0x1E520] =	vst v63  }
0x24: {  	s25 =	simm.s32 $0x920;
	s20 =	simm.s32 $0x4C8;
	s24 =	sadd.s32 $0x30, s21  }
0x25: {  	[hbm4b:s24+s3] =	stream.linear.scatter [tilespmem:s23], [sflag:$0x3], $0x80, $0x38;
	[tilespmem:$0x1E520] =	vst v63  }
0x26: {  	s26 =	sadd.s32 $0x40, s21;
	s28 =	simm.s32 $0x9A8;
	s29 =	sadd.s32 $0x50, s21  }
0x27: {  	[hbm4b:s26+s3] =	stream.linear.scatter [tilespmem:s25], [sflag:$0x3], $0x80, $0x38;
	[tilespmem:$0x1E520] =	vst v63  }
0x28: {  	s22 =	simm.s32 $0x2640;
	s30 =	simm.s32 $0xA30;
	s31 =	sadd.s32 $0x60, s21  }
0x29: {  	[hbm4b:s29+s3] =	stream.linear.scatter [tilespmem:s28], [sflag:$0x3], $0x80, $0x38;
	[tilespmem:$0x1E520] =	vst v63  }
0x2a: {  	s23 =	simm.s32 $0xAB8;
	s24 =	sadd.s32 $0x70, s21;
	s21 =	sadd.s32 $0x80, s21  }
0x2b: {  	[hbm4b:s31+s3] =	stream.linear.scatter [tilespmem:s30], [sflag:$0x3], $0x80, $0x38;
	[tilespmem:$0x1E520] =	vst v63  }
.LBB2_3:
0x2c: {  	[hbm4b:s24+s3] =	stream.linear.scatter [tilespmem:s23], [sflag:$0x3], $0x80, $0x38;
	[tilespmem:$0x1E520] =	vst v63  }
0x2d: {  	s23 =	smov.u32 s20;
	s20 =	smov.u32 s22  }
0x2e: {  	s25 =	sadd.s32 $0x1320, s22;
	s20 =	sshra.s32 s20, $0x2;
	s24 =	sadd.s32 $0x700, s23  }
0x2f: {  	[hbm4b:s21+s3] =	stream.linear.scatter [tilespmem:s24], [sflag:$0x3], $0x80, $0x38;
	[tilespmem:$0x1E520] =	vst v63  }
0x30: {  	p0 =	sne.s32 s22, $0x3A920;
	s22 =	sadd.s32 $0x788, s23;
	s24 =	sadd.s32 $0x10, s21  }
0x31: {  	[hbm4b:s24+s3] =	stream.linear.scatter [tilespmem:s22], [sflag:$0x3], $0x80, $0x38;
	[tilespmem:$0x1E520] =	vst v63  }
0x32: {  	s22 =	sadd.s32 $0x810, s23;
	s24 =	sadd.s32 $0x20, s21  }
0x33: {  	[hbm4b:s24+s3] =	stream.linear.scatter [tilespmem:s22], [sflag:$0x3], $0x80, $0x38;
	[tilespmem:$0x1E520] =	vst v63  }
0x34: {  	s22 =	sadd.s32 $0x898, s23;
	s24 =	sadd.s32 $0x30, s21  }
0x35: {  	[hbm4b:s24+s3] =	stream.linear.scatter [tilespmem:s22], [sflag:$0x3], $0x80, $0x38;
	[tilespmem:$0x1E520] =	vst v63  }
0x36: {  	s22 =	sadd.s32 $0x920, s23;
	s24 =	sadd.s32 $0x40, s21  }
0x37: {  	[hbm4b:s24+s3] =	stream.linear.scatter [tilespmem:s22], [sflag:$0x3], $0x80, $0x38;
	[tilespmem:$0x1E520] =	vst v63  }
.Ltmp2:
0x38: {  	s22 =	sadd.s32 $0x9A8, s23;
	s24 =	sadd.s32 $0x50, s21;
	(pc) =	sbr.rel @p0 .LBB2_3-.Ltmp2, $4  }
0x39: {  	[hbm4b:s24+s3] =	stream.linear.scatter [tilespmem:s22], [sflag:$0x3], $0x80, $0x38;
	[tilespmem:$0x1E520] =	vst v63  }
0x3a: {  	s22 =	sadd.s32 $0xA30, s23;
	s24 =	sadd.s32 $0x60, s21;
	s23 =	sadd.s32 $0xAB8, s23  }
0x3b: {  	[hbm4b:s24+s3] =	stream.linear.scatter [tilespmem:s22], [sflag:$0x3], $0x80, $0x38;
	[tilespmem:$0x1E520] =	vst v63  }
0x3c: {  	s24 =	sadd.s32 $0x70, s21;
	s21 =	sadd.s32 $0x80, s21;
	s22 =	smov.u32 s25  }
0x3d: {  	[hbm4b:s24+s3] =	stream.linear.scatter [tilespmem:s23], [sflag:$0x3], $0x80, $0x38;
	[tilespmem:$0x1E520] =	vst v63  }
0x3e: {  	s22 =	sadd.s32 $0x700, s20  }
0x3f: {  	[hbm4b:s21+s3] =	stream.linear.scatter [tilespmem:s22], [sflag:$0x3], $0x80, $0x38;
	[tilespmem:$0x1E520] =	vst v63  }
0x40: {  	s30 =	sadd.s32 $0x788, s20;
	s31 =	sadd.s32 $0x10, s21  }
0x41: {  	[hbm4b:s31+s3] =	stream.linear.scatter [tilespmem:s30], [sflag:$0x3], $0x80, $0x38;
	[tilespmem:$0x1E520] =	vst v63  }
0x42: {  	s23 =	sadd.s32 $0x810, s20;
	s24 =	sadd.s32 $0x20, s21  }
0x43: {  	[hbm4b:s24+s3] =	stream.linear.scatter [tilespmem:s23], [sflag:$0x3], $0x80, $0x38;
	[tilespmem:$0x1E520] =	vst v63  }
0x44: {  	s25 =	sadd.s32 $0x898, s20;
	s26 =	sadd.s32 $0x30, s21  }
0x45: {  	[hbm4b:s26+s3] =	stream.linear.scatter [tilespmem:s25], [sflag:$0x3], $0x80, $0x38;
	[tilespmem:$0x1E520] =	vst v63  }
0x46: {  	s28 =	sadd.s32 $0x920, s20;
	s29 =	sadd.s32 $0x40, s21  }
0x47: {  	[hbm4b:s29+s3] =	stream.linear.scatter [tilespmem:s28], [sflag:$0x3], $0x80, $0x38;
	[tilespmem:$0x1E520] =	vst v63  }
0x48: {  	s30 =	sadd.s32 $0x9A8, s20;
	s31 =	sadd.s32 $0x50, s21  }
0x49: {  	[hbm4b:s31+s3] =	stream.linear.scatter [tilespmem:s30], [sflag:$0x3], $0x80, $0x38;
	[tilespmem:$0x1E520] =	vst v63  }
0x4a: {  	p0 =	seq.s32 s18, $0xF;
	s24 =	sadd.s32 $0xA30, s20;
	s25 =	sadd.s32 $0x60, s21  }
0x4b: {  	[hbm4b:s25+s3] =	stream.linear.scatter [tilespmem:s24], [sflag:$0x3], $0x80, $0x38;
	[tilespmem:$0x1E520] =	vst v63  }
0x4c: {  	s26 =	sadd.s32 $0xAB8, s20;
	s20 =	simm.s32 @!p0 $0x3;
	s28 =	sadd.s32 $0x70, s21  }
0x4d: {  	[hbm4b:s28+s3] =	stream.linear.scatter [tilespmem:s26], [sflag:$0x3], $0x80, $0x38;
	[tilespmem:$0x1E520] =	vst v63  }
0x4e: {  	s21 =	smul.u32 @!p0 $0x1C0, s18;
	_ =	swait.ge @!p0 [sflag:s20], $0xC800  }
0x4f: {  	s19 =	sadd.s32 s19, s4;
	[sflag:s20] =	ssyncset.done @!p0 $0x0  }
0x50: {  	s19 =	smul.u32 $0x1900, s19;
	[sflag:s20] =	ssyncadd.s32 @!p0 $0xFFFF3800;
	s20 =	sshra.s32 @!p0 s21, $0x2  }
0x51: {  	s22 =	simm.s32 @!p0 $0x700;
	s21 =	simm.s32 @!p0 $0x32;
	s20 =	sadd.s32 @!p0 $0x70, s20  }
0x52: {  	[tilespmem:s22], [sflag:$0x1] =	stream.indirect.gather @!p0 [hbm4b:s2+s21], $0x4C8, s20, s21, $0xb8;
	[tilespmem:$0x1E520] =	vst v63  }
0x53: {  	_ =	swait.ge [sflag:s14], $0xEF10  }
0x54: {  	s19 =	sadd.s32 s5, s19;
	[sflag:s14] =	ssyncset.done $0x0  }
0x55: {  	s29 =	simm.s32 $0xF610;
	s20 =	sadd.s32 $0x1900, s19;
	[sflag:s14] =	ssyncadd.s32 $0xFFFF10F0  }
0x56: {  	[hbm4b:s20+s3] =	stream.linear.scatter [tilespmem:s29], [sflag:$0x4], $0x80, $0x38;
	[tilespmem:$0x1E520] =	vst v63  }
0x57: {  	s30 =	simm.s32 $0xF698;
	s31 =	sadd.s32 $0x10, s20  }
0x58: {  	[hbm4b:s31+s3] =	stream.linear.scatter [tilespmem:s30], [sflag:$0x4], $0x80, $0x38;
	[tilespmem:$0x1E520] =	vst v63  }
0x59: {  	s23 =	simm.s32 $0xF7A8;
	s21 =	simm.s32 $0xF720;
	s22 =	sadd.s32 $0x20, s20  }
0x5a: {  	[hbm4b:s22+s3] =	stream.linear.scatter [tilespmem:s21], [sflag:$0x4], $0x80, $0x38;
	[tilespmem:$0x1E520] =	vst v63  }
0x5b: {  	s25 =	simm.s32 $0xF830;
	s28 =	simm.s32 $0xF8B8;
	s24 =	sadd.s32 $0x30, s20  }
0x5c: {  	[hbm4b:s24+s3] =	stream.linear.scatter [tilespmem:s23], [sflag:$0x4], $0x80, $0x38;
	[tilespmem:$0x1E520] =	vst v63  }
0x5d: {  	s19 =	simm.s32 $0x4C8;
	s26 =	sadd.s32 $0x40, s20;
	s29 =	sadd.s32 $0x50, s20  }
0x5e: {  	[hbm4b:s26+s3] =	stream.linear.scatter [tilespmem:s25], [sflag:$0x4], $0x80, $0x38;
	[tilespmem:$0x1E520] =	vst v63  }
0x5f: {  	s30 =	simm.s32 $0xF940;
	s31 =	sadd.s32 $0x60, s20;
	s21 =	simm.s32 $0x2640  }
0x60: {  	[hbm4b:s29+s3] =	stream.linear.scatter [tilespmem:s28], [sflag:$0x4], $0x80, $0x38;
	[tilespmem:$0x1E520] =	vst v63  }
0x61: {  	s22 =	simm.s32 $0xF9C8;
	s23 =	sadd.s32 $0x70, s20;
	s20 =	sadd.s32 $0x80, s20  }
0x62: {  	[hbm4b:s31+s3] =	stream.linear.scatter [tilespmem:s30], [sflag:$0x4], $0x80, $0x38;
	[tilespmem:$0x1E520] =	vst v63  }
.LBB2_5:
0x63: {  	[hbm4b:s23+s3] =	stream.linear.scatter [tilespmem:s22], [sflag:$0x4], $0x80, $0x38;
	[tilespmem:$0x1E520] =	vst v63  }
0x64: {  	s22 =	smov.u32 s19;
	s19 =	smov.u32 s21  }
0x65: {  	s24 =	sadd.s32 $0x1320, s21;
	s19 =	sshra.s32 s19, $0x2;
	s23 =	sadd.s32 $0xF610, s22  }
0x66: {  	[hbm4b:s20+s3] =	stream.linear.scatter [tilespmem:s23], [sflag:$0x4], $0x80, $0x38;
	[tilespmem:$0x1E520] =	vst v63  }
0x67: {  	p1 =	sne.s32 s21, $0x3A920;
	s21 =	sadd.s32 $0xF698, s22;
	s23 =	sadd.s32 $0x10, s20  }
0x68: {  	[hbm4b:s23+s3] =	stream.linear.scatter [tilespmem:s21], [sflag:$0x4], $0x80, $0x38;
	[tilespmem:$0x1E520] =	vst v63  }
0x69: {  	s21 =	sadd.s32 $0xF720, s22;
	s23 =	sadd.s32 $0x20, s20  }
0x6a: {  	[hbm4b:s23+s3] =	stream.linear.scatter [tilespmem:s21], [sflag:$0x4], $0x80, $0x38;
	[tilespmem:$0x1E520] =	vst v63  }
0x6b: {  	s21 =	sadd.s32 $0xF7A8, s22;
	s23 =	sadd.s32 $0x30, s20  }
0x6c: {  	[hbm4b:s23+s3] =	stream.linear.scatter [tilespmem:s21], [sflag:$0x4], $0x80, $0x38;
	[tilespmem:$0x1E520] =	vst v63  }
0x6d: {  	s21 =	sadd.s32 $0xF830, s22;
	s23 =	sadd.s32 $0x40, s20  }
0x6e: {  	[hbm4b:s23+s3] =	stream.linear.scatter [tilespmem:s21], [sflag:$0x4], $0x80, $0x38;
	[tilespmem:$0x1E520] =	vst v63  }
.Ltmp3:
0x6f: {  	s21 =	sadd.s32 $0xF8B8, s22;
	s23 =	sadd.s32 $0x50, s20;
	(pc) =	sbr.rel @p1 .LBB2_5-.Ltmp3, $4  }
0x70: {  	[hbm4b:s23+s3] =	stream.linear.scatter [tilespmem:s21], [sflag:$0x4], $0x80, $0x38;
	[tilespmem:$0x1E520] =	vst v63  }
0x71: {  	s21 =	sadd.s32 $0xF940, s22;
	s23 =	sadd.s32 $0x60, s20;
	s22 =	sadd.s32 $0xF9C8, s22  }
0x72: {  	[hbm4b:s23+s3] =	stream.linear.scatter [tilespmem:s21], [sflag:$0x4], $0x80, $0x38;
	[tilespmem:$0x1E520] =	vst v63  }
0x73: {  	s23 =	sadd.s32 $0x70, s20;
	s20 =	sadd.s32 $0x80, s20;
	s21 =	smov.u32 s24  }
0x74: {  	[hbm4b:s23+s3] =	stream.linear.scatter [tilespmem:s22], [sflag:$0x4], $0x80, $0x38;
	[tilespmem:$0x1E520] =	vst v63  }
0x75: {  	s21 =	sadd.s32 $0xF610, s19  }
0x76: {  	[hbm4b:s20+s3] =	stream.linear.scatter [tilespmem:s21], [sflag:$0x4], $0x80, $0x38;
	[tilespmem:$0x1E520] =	vst v63  }
0x77: {  	s25 =	sadd.s32 $0xF698, s19;
	s26 =	sadd.s32 $0x10, s20  }
0x78: {  	[hbm4b:s26+s3] =	stream.linear.scatter [tilespmem:s25], [sflag:$0x4], $0x80, $0x38;
	[tilespmem:$0x1E520] =	vst v63  }
0x79: {  	s28 =	sadd.s32 $0xF720, s19;
	s29 =	sadd.s32 $0x20, s20  }
0x7a: {  	[hbm4b:s29+s3] =	stream.linear.scatter [tilespmem:s28], [sflag:$0x4], $0x80, $0x38;
	[tilespmem:$0x1E520] =	vst v63  }
0x7b: {  	s30 =	sadd.s32 $0xF7A8, s19;
	s31 =	sadd.s32 $0x30, s20  }
0x7c: {  	[hbm4b:s31+s3] =	stream.linear.scatter [tilespmem:s30], [sflag:$0x4], $0x80, $0x38;
	[tilespmem:$0x1E520] =	vst v63  }
0x7d: {  	s23 =	sadd.s32 $0xF830, s19;
	s24 =	sadd.s32 $0x40, s20  }
0x7e: {  	[hbm4b:s24+s3] =	stream.linear.scatter [tilespmem:s23], [sflag:$0x4], $0x80, $0x38;
	[tilespmem:$0x1E520] =	vst v63  }
0x7f: {  	s25 =	sadd.s32 $0xF8B8, s19;
	s26 =	sadd.s32 $0x50, s20  }
0x80: {  	[hbm4b:s26+s3] =	stream.linear.scatter [tilespmem:s25], [sflag:$0x4], $0x80, $0x38;
	[tilespmem:$0x1E520] =	vst v63  }
.Ltmp4:
0x81: {  	_ = 	snop;
	(pc) =	sbr.rel @p0 .LBB2_8-.Ltmp4, $4  }
0x82: {  	s28 =	sadd.s32 $0xF940, s19;
	s29 =	sadd.s32 $0x60, s20  }
0x83: {  	[hbm4b:s29+s3] =	stream.linear.scatter [tilespmem:s28], [sflag:$0x4], $0x80, $0x38;
	[tilespmem:$0x1E520] =	vst v63  }
0x84: {  	s30 =	sadd.s32 $0xF9C8, s19;
	s31 =	sadd.s32 $0x70, s20  }
0x85: {  	[hbm4b:s31+s3] =	stream.linear.scatter [tilespmem:s30], [sflag:$0x4], $0x80, $0x38;
	[tilespmem:$0x1E520] =	vst v63  }
0x86: {  	s19 =	smul.u32 $0x1C0, s18  }
.Ltmp5:
0x87: {  	_ = 	snop;
	(pc) =	sbr.rel .LBB2_2-.Ltmp5, $4  }
0x88: {  	_ =	swait.ge [sflag:s16], $0xC800  }
0x89: {  	[sflag:s16] =	ssyncset.done $0x0;
	s19 =	sshra.s32 s19, $0x2  }
0x8a: {  	s18 =	sadd.s32 $0x1, s18;
	[sflag:s16] =	ssyncadd.s32 $0xFFFF3800;
	s19 =	sadd.s32 $0xA8, s19  }
0x8b: {  	[tilespmem:s12], [sflag:$0x2] =	stream.indirect.gather [hbm4b:s2+s9], $0x4C8, s19, s9, $0xb8;
	[tilespmem:$0x1E520] =	vst v63  }
.LBB2_9:
0x8c: {  	_ =	sfence.sel $0x180000  }
0x8d: {  	[bflag:$0x0] =	sbarrier.arrive $0xFFFF  }
0x8e: {  	p0 =	sne.s32 s0, $0x0;
	_ =	strace $0x90000047  }
0x8f: {  	s0 =	sadd.s32 @!p0 $0x100000, s1;
	[bflag:$0x2] =	sbarrier.arrive $0xFFFF  }
0x90: {  	[sflag:s0] =	ssyncadd.tile.s32 @!p0 $0x1;
	_ =	shalt  }
.Lfunc_end2:
_tile_overlayer_lowered:
.L_overlay_start_2:
0x91: {  	(tag) =	ssettag $0x2  }
0x92: {  	s0 =	rddreg [dreg:$0x0];
	s2 =	stileid.u32  }
0x93: {  	s1 =	rddreg [dreg:$0x1];
	p0 =	sne.s32 s2, $0x0  }
0x94: {  	s3 =	rddreg [dreg:$0x2];
	[bflag:$0x3] =	sbarrier.arrive $0xFFFF;
	s2 =	simm.s32 @!p0 $0x1C05  }
0x95: {  	[timem:s3], [sflag:s2] =	dma.local @!p0 [hbm:s0], s1  }
0x96: {  	s0 =	simm.s32 @!p0 $0x5  }
0x97: {  	_ =	swait.ge @!p0 [sflag:s0], s1  }
0x98: {  	s1 =	ssub.s32 @!p0 $0x0, s1;
	[sflag:s0] =	ssyncset.done @!p0 $0x0  }
0x99: {  	[sflag:s0] =	ssyncadd.s32 @!p0 s1  }
0x9a: {  	[bflag:$0x3] =	sbarrier.arrive $0xFFFF  }
0x9b: {  	_ =	shalt  }

// kernel: sparse-core-data-format-call.cloned.1.call-start
scs
called_computation_lowered:
.L_overlay_start_0:
0x0: {  	s1 =	sld [smem:$0x3FD9]  }
0x1: {  	s2 =	sld [smem:$0x3FFE];
	_ =	sdelay $0x1  }
0x2: {  	s3 =	srdreg.scid  }
0x3: {  	s0 =	sand.u32 $0x1, s3  }
0x4: {  	s17 =	sshll.u32 s0, $0xA;
	s1 =	sadd.s32 s2, s1  }
0x5: {  	s1 =	sadd.s32 s1, s17  }
0x6: {  	[smem:$0x3FC6] =	sst s1  }
0x7: {  	_ = 	snop  }
0x8: {  	(tm) =	ssettm $0x1  }
0x9: {  	s18 =	sld [smem:$0x3FFB];
	_ =	sdelay $0x3  }
0xa: {  	_ =	strace s18  }
0xb: {  	s1 =	sld [smem:$0x3FFC];
	_ =	sdelay $0x3  }
0xc: {  	_ =	strace s1  }
0xd: {  	s1 =	sld [smem:$0x3FFD];
	_ =	sdelay $0x3  }
0xe: {  	_ =	strace s1  }
0xf: {  	_ =	strace $0x8FFFFFFF  }
0x10: {  	s19 =	sld [smem:$0x3FDB];
	_ =	sdelay $0x1  }
0x11: {  	s20 =	simm.s32 $_scs_section_size  }
0x12: {  	s4 =	simm.s32 $_size__tile_overlayer_lowered;
	s5 =	simm.s32 $_tile_overlayer_lowered  }
0x13: {  	s23 =	simm.s32 $0x1BFF;
	s22 =	sshll.u32 s5, $0x1;
	s1 =	sadd.s32 s20, s19  }
0x14: {  	s6 =	simm.s32 $0x0;
	s21 =	sshll.u32 s4, $0x1;
	s4 =	sadd.s32 s22, s1  }
0x15: {  	[timem:s6], [sflag:s23] =	dma.local [hbm:s4], s21  }
0x16: {  	_ =	swait.ge [sflag:s23], s21  }
0x17: {  	s2 =	ssub.s32 $0x0, s21;
	[sflag:s23] =	ssyncset.done $0x0  }
0x18: {  	[sflag:s23] =	ssyncadd.s32 s2;
	_ =	sdelay $0x1  }
0x19: {  	s24 =	simm.s32 $0x1B8B  }
0x1a: {  	_ =	swait.ge [sflag:s24], $0x1  }
0x1b: {  	[sflag:s24] =	ssyncset.done $0x0  }
0x1c: {  	s26 =	simm.s32 $0x1B8E;
	s25 =	sld [smem:$0x3FFE];
	[sflag:s24] =	ssyncadd.s32 $0xFFFFFFFF  }
0x1d: {  	s27 =	simm.s32 $execute0_lowered;
	[smem:$0x3FD2] =	sst s26  }
0x1e: {  	s4 =	sshll.u32 s27, $0x1;
	_ =	strace $0x80000049;
	[dreg:$0x1] =	wrdreg $0xFFFFFFFF  }
0x1f: {  	s28 =	simm.s32 $_size_execute0_lowered;
	s1 =	sadd.s32 s1, s4;
	[dreg:$0x0] =	wrdreg $0x0  }
0x20: {  	s4 =	sshll.u32 s28, $0x1;
	[dreg:$0x2] =	wrdreg s1  }
0x21: {  	[dreg:$0x3] =	wrdreg s4  }
0x22: {  	[dreg:$0x4] =	wrdreg $0xC0  }
0x23: {  	_ =	task [dreg:s6], $0x5FFFF  }
0x24: {  	[dreg:$0x1] =	wrdreg $0xFFFFFFFF  }
0x25: {  	[dreg:$0x0] =	wrdreg $0x60  }
0x26: {  	[dreg:$0x2] =	wrdreg s25  }
0x27: {  	[dreg:$0x3] =	wrdreg $0x9  }
0x28: {  	_ =	task.clear_ibuf [dreg:s6], $0x4FFFF;
	_ =	strace $0x90000049  }
0x29: {  	s29 =	simm.s32 $0x9;
	_ =	strace $0x8000004B  }
0x2a: {  	_ =	swait.ge [sflag:s29], $0x1  }
0x2b: {  	[sflag:s29] =	ssyncadd.s32 $0xFFFFFFFF  }
0x2c: {  	_ =	strace $0x9000004B  }
0x2d: {  	_ =	sfence  }
0x2e: {  	s30 =	sld [smem:$0x0];
	_ =	sdelay $0x2  }
0x2f: {  	s31 =	sshll.u32 s3, $0xD;
	s3 =	sshrl.u32 s3, $0x2  }
0x30: {  	s2 =	sand.u32 $0x4000, s31;
	s1 =	sadd.s32 s3, s30  }
0x31: {  	s0 =	sor.u32 s2, s0;
	s1 =	sshll.u32 s1, $0x11  }
0x32: {  	s0 =	sor.u32 s1, s0  }
0x33: {  	s0 =	sadd.s32 $0x8F2B, s0  }
0x34: {  	[sflag:s0] =	ssyncadd.remote.s32 $0x1  }
0x35: {  	_ =	sfence.sel $0xFFFF  }
0x36: {  	[dreg:$0x0] =	wrdreg $0xFFFFFFFF;
	(pc) =	sbr.abs _section_cstart, $3  }
0x37: {  	[dreg:$0x1] =	wrdreg $0xFFFFFFFF  }
0x38: {  	_ =	task.clear_ibuf [dreg:s6], $0x2FFFF;
	_ =	strace $0x9FFFFFFF  }
0x39: {  	(tm) =	ssettm $0x7FFFFFFF  }
tec
execute0_lowered:
.L_overlay_start_1:
0x0: {  	(tag) =	ssettag $0x1  }
0x1: {  	s0 =	stileid.u32  }
0x2: {  	s4 =	rddreg [dreg:$0x0];
	s7 =	srdreg.scid  }
0x3: {  	s8 =	simm.s32 $0x2;
	s14 =	simm.s32 $0x0;
	s9 =	simm.s32 $0x2000  }
0x4: {  	s16 =	simm.s32 $0x0;
	s15 =	simm.s32 $0x0;
	s1 =	sshll.u32 s0, $0x7  }
0x5: {  	s11 =	simm.s32 $0x0;
	s13 =	simm.s32 $0x0;
	s2 =	sand.u32 $0x380, s1  }
0x6: {  	s3 =	sadd.s32 $0x2400, s4;
	s7 =	sshll.u32 s7, $0x4;
	s5 =	ssub.s32 $0x400, s2  }
0x7: {  	s4 =	sadd.s32 $0x642400, s4;
	s1 =	rddreg [dreg:$0x1];
	s6 =	sand.u32 $0x380, s5  }
0x8: {  	s7 =	sand.u32 $0x10, s7;
	p0 =	sne.s32 s6, $0x0;
	s6 =	simm.s32 $0x1  }
.Ltmp0:
0x9: {  	s5 =	sshrl.u32 s5, $0xA;
	s6 =	simm.s32 @!p0 $0x0;
	(pc) =	sbr.rel .LBB1_1-.Ltmp0, $4  }
0xa: {  	_ =	strace $0x8000004A;
	s7 =	sor.u32 s0, s7;
	s6 =	sadd.s32 s6, s5  }
0xb: {  	s7 =	sshrl.u32 s7, $0x3;
	s5 =	simm.s32 $0x1;
	s6 =	smul.u32 $0x64, s6  }
0xc: {  	s12 =	smov.u32 s2;
	s10 =	smov.u32 s7;
	[sflag:s5] =	ssyncpa.u1 $0x0  }
0xd: {  	p0 =	por $0x0, $0x0;
	[sflag:s8] =	ssyncpa.u1 $0x0;
	s8 =	sor.u32 $0x1, s6  }
.LBB1_4:
0xe: {  	v5 =	vld [tilespmem:s20+$0xFFFFFFD0];
	[tilespmem:s19+$0x2040 ss:$0x81] =	vst.msk $0xffff, v1  }
0xf: {  	v58 =	vld [tilespmem:s20+$0xFFFFFFE0];
	[tilespmem:s19+$0x2850 ss:$0x81] =	vst.msk $0xffff, v2  }
0x10: {  	s21 =	sshra.s32 s21, $0x2;
	v59 =	vld [tilespmem:s20+$0xFFFFFFF0];
	[tilespmem:s19+$0x3060 ss:$0x81] =	vst.msk $0xffff, v3  }
0x11: {  	v60 =	vld [tilespmem:s20+$0x0];
	[tilespmem:s19+$0x0 ss:$0x81] =	vst.msk $0xffff, v0;
	s18 =	sadd.s32 s21, s18  }
0x12: {  	v61 =	vld [tilespmem:s20+$0x10];
	[tilespmem:s18+$0x3870 ss:$0x81] =	vst.msk $0xffff, v4  }
0x13: {  	v62 =	vld [tilespmem:s20+$0x20];
	[tilespmem:s18+$0x810 ss:$0x81] =	vst.msk $0xffff, v5  }
0x14: {  	v63 =	vld [tilespmem:s20+$0xFFFFFFC0];
	[tilespmem:s18+$0x1020 ss:$0x81] =	vst.msk $0xffff, v58  }
0x15: {  	s29 =	sand.u32 $0x3F80, s15;
	[tilespmem:s18+$0x1830 ss:$0x81] =	vst.msk $0xffff, v59  }
0x16: {  	s16 =	sshll.u32 s16, $0x11;
	s30 =	sshrl.u32 s15, $0x3;
	s19 =	sadd.s32 s4, s29;
	[tilespmem:s18+$0x2040 ss:$0x81] =	vst.msk $0xffff, v60  }
0x17: {  	s31 =	sand.u32 $0x7, s15;
	s20 =	sand.u32 $0xF, s30;
	s16 =	sadd.s32 s16, s19;
	[tilespmem:s18+$0x2850 ss:$0x81] =	vst.msk $0xffff, v61  }
0x18: {  	s14 =	sshll.u32 s14, $0xE;
	s15 =	sshll.u32 s31, $0x12;
	s16 =	sadd.s32 s20, s16;
	[tilespmem:s18+$0x3060 ss:$0x81] =	vst.msk $0xffff, v62  }
0x19: {  	s15 =	sor.u32 $0x400, s15;
	s14 =	sadd.s32 s14, s16;
	[tilespmem:s18+$0x0 ss:$0x81] =	vst.msk $0xffff, v63  }
0x1a: {  	[hbm4b:s14+s15] =	stream.strided.scatter [tilespmem:s17], [sflag:$0x2], $0x4000, s9, s15, $0x20;
	[tilespmem:$0x10100] =	vst v63  }
.LBB1_5:
0x1b: {  	s17 =	sadd.s32 $0x4, s10  }
0x1c: {  	s14 =	simm.s32 $0x1;
	p2 =	sgt.s32 s17, $0x7  }
0x1d: {  	s14 =	simm.s32 @!p2 $0x0  }
0x1e: {  	s18 =	sadd.s32 s14, s11  }
0x1f: {  	s20 =	smov.u32 s12;
	s14 =	sadd.s32 $0x400, s12;
	p3 =	sgt.s32 s18, $0x31  }
0x20: {  	s20 =	smov.u32 @p3 s14  }
0x21: {  	p1 =	slt.u32 s13, $0x2;
	s17 =	smov.u32 @p2 s7;
	p2 =	sgt.s32 s20, $0x3FF  }
0x22: {  	s19 =	simm.s32 @!p1 $0x2;
	s20 =	smov.u32 @p2 s2;
	p2 =	sne.s32 s13, s8  }
.Ltmp1:
0x23: {  	_ =	swait.ge @!p1 [sflag:s19], $0x4000;
	(pc) =	sbr.rel @!p2 .LBB1_6-.Ltmp1, $4  }
0x24: {  	s16 =	smov.u32 s11;
	[sflag:s19] =	ssyncset.done @!p1 $0x0  }
0x25: {  	s15 =	smov.u32 s12;
	p0 =	por !p0, !p0;
	[sflag:s19] =	ssyncadd.s32 @!p1 $0xFFFFC000  }
0x26: {  	s18 =	simm.s32 @p3 $0x0;
	s14 =	smov.u32 s10;
	s10 =	smov.u32 s17  }
0x27: {  	s11 =	smov.u32 s18;
	s13 =	sadd.s32 $0x1, s13;
	s12 =	smov.u32 s20  }
.LBB1_1:
0x28: {  	p1 =	sge.u32 s13, s6  }
0x29: {  	s18 =	smul.u32 @!p1 $0x1900, s12  }
0x2a: {  	s31 =	sadd.s32 $0xFFFFFFFF, s13;
	s17 =	sxor.u32 @!p1 $0xFFFFFFFF, s13;
	s19 =	sshll.u32 @!p1 s11, $0x7  }
0x2b: {  	s20 =	sshll.u32 @!p1 s10, $0x4;
	s17 =	sshll.u32 @!p1 s17, $0xE;
	s18 =	sadd.s32 @!p1 s3, s18  }
0x2c: {  	s20 =	sand.u32 @!p1 $0x70, s20;
	s17 =	sand.u32 @!p1 $0x4000, s17;
	s18 =	sadd.s32 @!p1 s19, s18  }
0x2d: {  	s19 =	simm.s32 @!p1 $0x80;
	s18 =	sadd.s32 @!p1 s20, s18;
	s20 =	simm.s32 @!p1 $0xC800  }
0x2e: {  	[tilespmem:s17], [sflag:$0x1] =	stream.strided.gather @!p1 [hbm4b:s18+s19], $0x4000, s20, s19, $0x38;
	[tilespmem:$0x10100] =	vst v63  }
0x2f: {  	p1 =	sge.u32 s31, s6  }
.Ltmp2:
0x30: {  	_ = 	snop;
	(pc) =	sbr.rel @p1 .LBB1_5-.Ltmp2, $1  }
0x31: {  	_ =	sdelay $0x3  }
0x32: {  	s17 =	simm.s32 $0x1  }
0x33: {  	_ =	swait.ge [sflag:s5], $0x4000;
	s17 =	simm.s32 @!p0 $0x0  }
0x34: {  	[sflag:s5] =	ssyncset.done $0x0;
	s18 =	sshll.u32 s17, $0xE  }
0x35: {  	[sflag:s5] =	ssyncadd.s32 $0xFFFFC000;
	s20 =	sor.u32 $0x40, s18  }
0x36: {  	s17 =	smul.u32 $0x10200, s17;
	v0 =	vld [tilespmem:s20+$0x30]  }
0x37: {  	v3 =	vld [tilespmem:s20+$0xFFFFFFD0]  }
0x38: {  	s17 =	sshrl.u32 s17, $0x2;
	v4 =	vld [tilespmem:s20+$0xFFFFFFE0]  }
0x39: {  	v5 =	vld [tilespmem:s20+$0xFFFFFFF0];
	s18 =	sor.u32 $0x8000, s17  }
0x3a: {  	s31 =	sand.u32 $0x1, s13;
	v1 =	vld [tilespmem:s20+$0x0];
	s19 =	sadd.s32 $0x0, s18  }
0x3b: {  	v2 =	vld [tilespmem:s20+$0x10];
	s17 =	smul.u32 $0x10200, s31;
	[tilespmem:s19+$0x3870 ss:$0x81] =	vst.msk $0xffff, v0  }
0x3c: {  	[tilespmem:s19+$0x810 ss:$0x81] =	vst.msk $0xffff, v3;
	v3 =	vld [tilespmem:s20+$0x20]  }
0x3d: {  	s17 =	sshrl.u32 s17, $0x2;
	v0 =	vld [tilespmem:s20+$0xFFFFFFC0];
	[tilespmem:s19+$0x1020 ss:$0x81] =	vst.msk $0xffff, v4;
	s20 =	sadd.s32 $0x80, s20  }
0x3e: {  	s21 =	simm.s32 $0x4;
	s22 =	simm.s32 $0x8;
	s17 =	sor.u32 $0x8000, s17;
	[tilespmem:s19+$0x1830 ss:$0x81] =	vst.msk $0xffff, v5;
	v4 =	vld [tilespmem:s20+$0x30]  }
.LBB1_3:
0x3f: {  	p1 =	sne.s32 s22, $0x1FC;
	v5 =	vld [tilespmem:s20+$0xFFFFFFD0];
	[tilespmem:s19+$0x2040 ss:$0x81] =	vst.msk $0xffff, v1  }
0x40: {  	v6 =	vld [tilespmem:s20+$0xFFFFFFE0];
	[tilespmem:s19+$0x2850 ss:$0x81] =	vst.msk $0xffff, v2  }
0x41: {  	s23 =	sshra.s32 s21, $0x2;
	s21 =	smov.u32 s22;
	v7 =	vld [tilespmem:s20+$0xFFFFFFF0];
	[tilespmem:s19+$0x3060 ss:$0x81] =	vst.msk $0xffff, v3  }
.Ltmp3:
0x42: {  	v1 =	vld [tilespmem:s20+$0x0];
	[tilespmem:s19+$0x0 ss:$0x81] =	vst.msk $0xffff, v0;
	s19 =	sadd.s32 s23, s18;
	(pc) =	sbr.rel @p1 .LBB1_3-.Ltmp3, $4  }
0x43: {  	v2 =	vld [tilespmem:s20+$0x10];
	[tilespmem:s19+$0x3870 ss:$0x81] =	vst.msk $0xffff, v4  }
0x44: {  	[tilespmem:s19+$0x810 ss:$0x81] =	vst.msk $0xffff, v5;
	v3 =	vld [tilespmem:s20+$0x20]  }
0x45: {  	v0 =	vld [tilespmem:s20+$0xFFFFFFC0];
	[tilespmem:s19+$0x1020 ss:$0x81] =	vst.msk $0xffff, v6;
	s20 =	sadd.s32 $0x80, s20  }
0x46: {  	s22 =	sadd.s32 $0x4, s22;
	v4 =	vld [tilespmem:s20+$0x30];
	[tilespmem:s19+$0x1830 ss:$0x81] =	vst.msk $0xffff, v7  }
.Ltmp4:
0x47: {  	_ = 	snop;
	(pc) =	sbr.rel .LBB1_4-.Ltmp4, $1  }
0x48: {  	_ =	sdelay $0x3  }
.LBB1_6:
0x49: {  	_ =	sfence.sel $0x180000  }
0x4a: {  	s2 =	simm.s32 $0x1;
	[bflag:$0x0] =	sbarrier.arrive $0xFFFF  }
0x4b: {  	s31 =	simm.s32 $0x2;
	[sflag:s2] =	ssyncpa.u1 $0x1  }
0x4c: {  	[sflag:s31] =	ssyncpa.u1 $0x1  }
0x4d: {  	p0 =	sne.s32 s0, $0x0;
	_ =	strace $0x9000004A  }
0x4e: {  	s0 =	sadd.s32 @!p0 $0x100000, s1;
	[bflag:$0x2] =	sbarrier.arrive $0xFFFF  }
0x4f: {  	[sflag:s0] =	ssyncadd.tile.s32 @!p0 $0x1;
	_ =	shalt  }
.Lfunc_end1:
_tile_overlayer_lowered:
.L_overlay_start_2:
0x50: {  	(tag) =	ssettag $0x2  }
0x51: {  	s0 =	rddreg [dreg:$0x0];
	s2 =	stileid.u32  }
0x52: {  	s1 =	rddreg [dreg:$0x1];
	p0 =	sne.s32 s2, $0x0  }
0x53: {  	s3 =	rddreg [dreg:$0x2];
	[bflag:$0x3] =	sbarrier.arrive $0xFFFF;
	s2 =	simm.s32 @!p0 $0x1C01  }
0x54: {  	[timem:s3], [sflag:s2] =	dma.local @!p0 [hbm:s0], s1  }
0x55: {  	s0 =	simm.s32 @!p0 $0x1  }
0x56: {  	_ =	swait.ge @!p0 [sflag:s0], s1  }
0x57: {  	s1 =	ssub.s32 @!p0 $0x0, s1;
	[sflag:s0] =	ssyncset.done @!p0 $0x0  }
0x58: {  	[sflag:s0] =	ssyncadd.s32 @!p0 s1  }
0x59: {  	[bflag:$0x3] =	sbarrier.arrive $0xFFFF  }
0x5a: {  	_ =	shalt  }

</sc_bundles>
